<compile_context>
chip_gen: v7x
topology: tpu7x:2x2x1
jax: 0.10.2.dev20260603
libtpu: 0.0.44.dev20260713+nightly
codegen_flags: <defaults>
</compile_context>

<pallas_src>
import functools

import jax
import jax.numpy as jnp
from jax import lax
from jax.experimental import pallas as pl
from jax.experimental.pallas import tpu as pltpu
from jax.experimental.pallas import tpu_sc as plsc

_D = 1024
_B = 8
_T = 2048
_N = 9216

_NC, _NS = 2, 16
_NW = _NC * _NS
_RPW = _N // _NW
_CH_A = 24
_NA = 6
_CH_B = 24
_NB = 6
_SPLIT = _CH_A * _NA
_TPW = _T // _NW


def _sc_body(x_hbm, lens_hbm, data_hbm, packbs_hbm,
             ts0, ts1, sp0, sp1, lens_v, pb_v,
             sem_a0, sem_a1, sem_b0, sem_b1,
             sem_c0, sem_c1, sem_d0, sem_d1, sem_l, sem_p):
    sid = lax.axis_index("s")
    wid = sid * _NC + lax.axis_index("c")
    base = wid * _RPW
    ts_bufs = (ts0, ts1)
    sp_bufs = (sp0, sp1)
    sems_in_a = (sem_a0, sem_a1)
    sems_out_a = (sem_b0, sem_b1)
    sems_in_b = (sem_c0, sem_c1)
    sems_out_b = (sem_d0, sem_d1)

    def rows_a(k):
        return pl.ds(base + k * _CH_A, _CH_A)

    def rows_b(k):
        return pl.ds(base + _SPLIT + k * _CH_B, _CH_B)

    def in_a(k):
        return pltpu.make_async_copy(x_hbm.at[rows_a(k)], ts_bufs[k % 2],
                                     sems_in_a[k % 2])

    def out_a(k):
        return pltpu.make_async_copy(ts_bufs[k % 2], data_hbm.at[rows_a(k)],
                                     sems_out_a[k % 2])

    def in_b(k):
        return pltpu.make_async_copy(x_hbm.at[rows_b(k)],
                                     sp_bufs[k % 2].at[sid],
                                     sems_in_b[k % 2])

    def out_b(k):
        return pltpu.make_async_copy(sp_bufs[k % 2].at[sid],
                                     data_hbm.at[rows_b(k)],
                                     sems_out_b[k % 2])

    def step(k, n, in_cp, out_cp):
        in_cp(k).wait()
        if k + 1 < n:
            if k >= 1:
                out_cp(k - 1).wait()
            in_cp(k + 1).start()
        out_cp(k).start()

    lens_cp = pltpu.make_async_copy(lens_hbm, lens_v, sem_l)
    lens_cp.start()
    in_a(0).start()
    in_b(0).start()
    for k in range(max(_NA, _NB)):
        if k < _NA:
            step(k, _NA, in_a, out_a)
        if k < _NB:
            step(k, _NB, in_b, out_b)

    lens_cp.wait()
    tbase = wid * _TPW
    lane = lax.iota(jnp.int32, 16)
    tbase_v = jnp.broadcast_to(tbase, (16,)).astype(jnp.int32)
    for j in range(_TPW // 16):
        t_vec = lane + tbase_v + j * 16
        acc = jnp.minimum(jnp.maximum(lens_v[0] - t_vec, 0), 1)
        for b in range(1, _B):
            acc = acc + jnp.minimum(jnp.maximum(lens_v[b] - t_vec, 0), 1)
        pb_v[pl.ds(j * 16, 16)] = acc
    pb_cp = pltpu.make_async_copy(pb_v, packbs_hbm.at[pl.ds(tbase, _TPW)],
                                  sem_p)
    pb_cp.start()

    out_a(_NA - 2).wait()
    out_a(_NA - 1).wait()
    out_b(_NB - 2).wait()
    out_b(_NB - 1).wait()
    pb_cp.wait()


@functools.partial(jax.jit, static_argnames=())
def _sc_call(x, lens16):
    mesh = plsc.VectorSubcoreMesh(core_axis_name="c", subcore_axis_name="s")
    fn = functools.partial(
        pl.kernel,
        mesh=mesh,
        out_type=[
            jax.ShapeDtypeStruct((_N, _D), jnp.float32),
            jax.ShapeDtypeStruct((_T,), jnp.int32),
        ],
        scratch_types=[
            pltpu.VMEM((_CH_A, _D), jnp.float32),
            pltpu.VMEM((_CH_A, _D), jnp.float32),
            pltpu.VMEM_SHARED((_NS, _CH_B, _D), jnp.float32),
            pltpu.VMEM_SHARED((_NS, _CH_B, _D), jnp.float32),
            pltpu.VMEM((_B, 16), jnp.int32),
            pltpu.VMEM((_TPW,), jnp.int32),
            pltpu.SemaphoreType.DMA,
            pltpu.SemaphoreType.DMA,
            pltpu.SemaphoreType.DMA,
            pltpu.SemaphoreType.DMA,
            pltpu.SemaphoreType.DMA,
            pltpu.SemaphoreType.DMA,
            pltpu.SemaphoreType.DMA,
            pltpu.SemaphoreType.DMA,
            pltpu.SemaphoreType.DMA,
            pltpu.SemaphoreType.DMA,
        ],
    )(_sc_body)
    return fn(x, lens16)


def kernel(x, batch_sizes_t, batch_seq_len):
    del batch_sizes_t
    lens16 = jnp.broadcast_to(
        batch_seq_len.astype(jnp.int32)[:, None], (_B, 16))
    data, pack_bs = _sc_call(x, lens16)
    return data, pack_bs.astype(batch_seq_len.dtype)

# --- scband reference (transcript-rebuilt; emitter-appended) ---
"""Pipeline reference for scband-var-to-packed-11390253269748 (READ-ONLY COPY).

The authoritative reference and input builder live on the scoring server;
editing this copy changes nothing except your own understanding.
"""

import jax, jax.numpy as jnp
import numpy as np

D = 1024
B = 8
T = 2048


def setup_inputs(seed: int = 0) -> dict:
    key = jax.random.key(seed)
    # Descending, consistent ragged lengths: [2048, 1792, ..., 256], sum = 9216
    lengths = np.array([T - (T // B) * i for i in range(B)], dtype=np.int64)
    t_grid = np.arange(T)
    # batch_sizes_t[t] = number of sequences still active at time t (monotone non-increasing)
    batch_sizes_t = (t_grid[:, None] < lengths[None, :]).sum(axis=1).astype(np.int64)
    total = int(batch_sizes_t.sum())
    x = jax.random.normal(key, (total, D), dtype=jnp.float32)
    return {
        "x": x,
        "batch_sizes_t": jnp.asarray(batch_sizes_t),
        "batch_seq_len": jnp.asarray(lengths),
    }


def reference(x, batch_sizes_t, batch_seq_len):
    # --- step 1: the python loop in the torch forward, vectorized as a gather ---
    T_ = batch_sizes_t.shape[0]
    B_ = batch_seq_len.shape[0]
    Bmax = B_
    offsets = jnp.concatenate(
        [jnp.zeros(1, dtype=batch_sizes_t.dtype), jnp.cumsum(batch_sizes_t)]
    )[:-1]
    b_idx = jnp.arange(Bmax)
    idx = offsets[:, None] + b_idx[None, :]            # [T, Bmax] row index into x
    mask = b_idx[None, :] < batch_sizes_t[:, None]      # valid (non-padded) slots
    idx_c = jnp.where(mask, idx, 0)
    padded = jnp.take(x, idx_c.reshape(-1), axis=0).reshape(T_, Bmax, x.shape[1])
    padded = padded * mask[:, :, None].astype(jnp.float32)  # F.pad with zeros
    # stack over time then transpose(0,1) -> [B, T, d] (batch_first)
    out = jnp.transpose(padded, (1, 0, 2))
    # --- step 2: pack_padded_sequence(out, batch_seq_len, batch_first=True) ---
    pack_bs = (jnp.arange(T_)[:, None] < batch_seq_len[None, :]).sum(axis=1).astype(
        batch_seq_len.dtype
    )
    step = T_ // B_
    lens_static = np.array([T_ - step * i for i in range(B_)], dtype=np.int64)
    pack_bs_static = (np.arange(T_)[:, None] < lens_static[None, :]).sum(axis=1).astype(np.int64)
    t_rep = np.repeat(np.arange(T_), pack_bs_static)
    b_rep = np.concatenate([np.arange(n) for n in pack_bs_static]).astype(np.int64)
    data = out[jnp.asarray(b_rep), jnp.asarray(t_rep)]  # [total_tokens, d]
    return data, pack_bs

if __name__ == "__main__":
    import jax
    _d = setup_inputs()
    print(jax.jit(kernel)(*tuple(_d.values())))

</pallas_src>

<mosaic_0001>
#map = affine_map<(d0, d1) -> (0, 0)>
#map1 = affine_map<(d0, d1) -> (0)>
module attributes {stable_mosaic.version = 14 : i64} {
  func.func @_sc_body(%arg0: i32, %arg1: i32, %arg2: memref<9216x1024xf32, #tpu.memory_space<hbm>>, %arg3: memref<8x16xi32, #tpu.memory_space<hbm>>, %arg4: memref<9216x1024xf32, #tpu.memory_space<hbm>>, %arg5: memref<2048xi32, #tpu.memory_space<hbm>>, %arg6: memref<24x1024xf32, #tpu.memory_space<vmem>>, %arg7: memref<24x1024xf32, #tpu.memory_space<vmem>>, %arg8: memref<16x24x1024xf32, #tpu.memory_space<vmem_shared>>, %arg9: memref<16x24x1024xf32, #tpu.memory_space<vmem_shared>>, %arg10: memref<8x16xi32, #tpu.memory_space<vmem>>, %arg11: memref<64xi32, #tpu.memory_space<vmem>>, %arg12: memref<!tpu.dma_semaphore, #tpu.memory_space<semaphore_mem>>, %arg13: memref<!tpu.dma_semaphore, #tpu.memory_space<semaphore_mem>>, %arg14: memref<!tpu.dma_semaphore, #tpu.memory_space<semaphore_mem>>, %arg15: memref<!tpu.dma_semaphore, #tpu.memory_space<semaphore_mem>>, %arg16: memref<!tpu.dma_semaphore, #tpu.memory_space<semaphore_mem>>, %arg17: memref<!tpu.dma_semaphore, #tpu.memory_space<semaphore_mem>>, %arg18: memref<!tpu.dma_semaphore, #tpu.memory_space<semaphore_mem>>, %arg19: memref<!tpu.dma_semaphore, #tpu.memory_space<semaphore_mem>>, %arg20: memref<!tpu.dma_semaphore, #tpu.memory_space<semaphore_mem>>, %arg21: memref<!tpu.dma_semaphore, #tpu.memory_space<semaphore_mem>>) attributes {dimension_semantics = [#tpu.dimension_semantics<core_parallel>, #tpu.dimension_semantics<subcore_parallel>], iteration_bounds = array<i64: 2, 16>, scalar_prefetch = 0 : i64, scratch_operands = 16 : i64, tpu.core_type = #tpu.core_type<sc_vector_subcore>, window_params = [{transform_indices = #map}, {transform_indices = #map}, {transform_indices = #map}, {transform_indices = #map1}]} {
    %mul3A = arith.constant 2 : i32
    %mul3A_0 = arith.muli %arg1, %mul3A : i32
    %add3A = arith.addi %mul3A_0, %arg0 : i32
    %mul3A_1 = arith.constant 288 : i32
    %mul3A_2 = arith.muli %add3A, %mul3A_1 : i32
    tpu.enqueue_dma source(%arg3 : memref<8x16xi32, #tpu.memory_space<hbm>>) target(%arg10 : memref<8x16xi32, #tpu.memory_space<vmem>>) target_semaphore(%arg20 : memref<!tpu.dma_semaphore, #tpu.memory_space<semaphore_mem>>)
    %add3A_3 = arith.constant 0 : i32
    %add3A_4 = arith.addi %mul3A_2, %add3A_3 : i32
    %dma_start3A = arith.constant 0 : i32
    %dma_start3A_5 = tpu.memref_slice %arg2[%add3A_4, %dma_start3A] : memref<9216x1024xf32, #tpu.memory_space<hbm>> -> memref<24x1024xf32, #tpu.memory_space<hbm>>
    %dma_start3A_6 = arith.constant 0 : i32
    %dma_start3A_7 = tpu.memref_slice %arg2[%add3A_4, %dma_start3A_6] : memref<9216x1024xf32, #tpu.memory_space<hbm>> -> memref<24x1024xf32, #tpu.memory_space<hbm>>
    tpu.enqueue_dma source(%dma_start3A_7 : memref<24x1024xf32, #tpu.memory_space<hbm>>) target(%arg6 : memref<24x1024xf32, #tpu.memory_space<vmem>>) target_semaphore(%arg12 : memref<!tpu.dma_semaphore, #tpu.memory_space<semaphore_mem>>)
    %add3A_8 = arith.constant 144 : i32
    %add3A_9 = arith.addi %mul3A_2, %add3A_8 : i32
    %add3A_10 = arith.constant 0 : i32
    %add3A_11 = arith.addi %add3A_9, %add3A_10 : i32
    %dma_start3A_12 = arith.constant 0 : i32
    %dma_start3A_13 = arith.constant 0 : i32
    %dma_start3A_14 = tpu.memref_slice %arg8[%arg1, %dma_start3A_12, %dma_start3A_13] : memref<16x24x1024xf32, #tpu.memory_space<vmem_shared>> -> memref<1x24x1024xf32, #tpu.memory_space<vmem_shared>>
    %dma_start3A_15 = tpu.memref_squeeze %dma_start3A_14 : memref<1x24x1024xf32, #tpu.memory_space<vmem_shared>> -> memref<24x1024xf32, #tpu.memory_space<vmem_shared>>
    %dma_start3A_16 = arith.constant 0 : i32
    %dma_start3A_17 = tpu.memref_slice %arg2[%add3A_11, %dma_start3A_16] : memref<9216x1024xf32, #tpu.memory_space<hbm>> -> memref<24x1024xf32, #tpu.memory_space<hbm>>
    tpu.enqueue_dma source(%dma_start3A_17 : memref<24x1024xf32, #tpu.memory_space<hbm>>) target(%dma_start3A_15 : memref<24x1024xf32, #tpu.memory_space<vmem_shared>>) target_semaphore(%arg16 : memref<!tpu.dma_semaphore, #tpu.memory_space<semaphore_mem>>)
    %add3A_18 = arith.constant 0 : i32
    %add3A_19 = arith.addi %mul3A_2, %add3A_18 : i32
    %dma_wait3A = arith.constant 0 : i32
    %dma_wait3A_20 = tpu.memref_slice %arg2[%add3A_19, %dma_wait3A] : memref<9216x1024xf32, #tpu.memory_space<hbm>> -> memref<24x1024xf32, #tpu.memory_space<hbm>>
    %dma_wait3A_21 = arith.constant 0 : i32
    %dma_wait3A_22 = tpu.memref_slice %arg2[%add3A_19, %dma_wait3A_21] : memref<9216x1024xf32, #tpu.memory_space<hbm>> -> memref<24x1024xf32, #tpu.memory_space<hbm>>
    tpu.wait_dma2 semaphore(%arg12 : memref<!tpu.dma_semaphore, #tpu.memory_space<semaphore_mem>>) src(%dma_wait3A_22 : memref<24x1024xf32, #tpu.memory_space<hbm>>) dst(%arg6 : memref<24x1024xf32, #tpu.memory_space<vmem>>)
    %add3A_23 = arith.constant 24 : i32
    %add3A_24 = arith.addi %mul3A_2, %add3A_23 : i32
    %dma_start3A_25 = arith.constant 0 : i32
    %dma_start3A_26 = tpu.memref_slice %arg2[%add3A_24, %dma_start3A_25] : memref<9216x1024xf32, #tpu.memory_space<hbm>> -> memref<24x1024xf32, #tpu.memory_space<hbm>>
    %dma_start3A_27 = arith.constant 0 : i32
    %dma_start3A_28 = tpu.memref_slice %arg2[%add3A_24, %dma_start3A_27] : memref<9216x1024xf32, #tpu.memory_space<hbm>> -> memref<24x1024xf32, #tpu.memory_space<hbm>>
    tpu.enqueue_dma source(%dma_start3A_28 : memref<24x1024xf32, #tpu.memory_space<hbm>>) target(%arg7 : memref<24x1024xf32, #tpu.memory_space<vmem>>) target_semaphore(%arg13 : memref<!tpu.dma_semaphore, #tpu.memory_space<semaphore_mem>>)
    %add3A_29 = arith.constant 0 : i32
    %add3A_30 = arith.addi %mul3A_2, %add3A_29 : i32
    %dma_start3A_31 = arith.constant 0 : i32
    %dma_start3A_32 = tpu.memref_slice %arg4[%add3A_30, %dma_start3A_31] : memref<9216x1024xf32, #tpu.memory_space<hbm>> -> memref<24x1024xf32, #tpu.memory_space<hbm>>
    %dma_start3A_33 = arith.constant 0 : i32
    %dma_start3A_34 = tpu.memref_slice %arg4[%add3A_30, %dma_start3A_33] : memref<9216x1024xf32, #tpu.memory_space<hbm>> -> memref<24x1024xf32, #tpu.memory_space<hbm>>
    tpu.enqueue_dma source(%arg6 : memref<24x1024xf32, #tpu.memory_space<vmem>>) target(%dma_start3A_34 : memref<24x1024xf32, #tpu.memory_space<hbm>>) target_semaphore(%arg14 : memref<!tpu.dma_semaphore, #tpu.memory_space<semaphore_mem>>)
    %add3A_35 = arith.constant 144 : i32
    %add3A_36 = arith.addi %mul3A_2, %add3A_35 : i32
    %add3A_37 = arith.constant 0 : i32
    %add3A_38 = arith.addi %add3A_36, %add3A_37 : i32
    %dma_wait3A_39 = arith.constant 0 : i32
    %dma_wait3A_40 = arith.constant 0 : i32
    %dma_wait3A_41 = tpu.memref_slice %arg8[%arg1, %dma_wait3A_39, %dma_wait3A_40] : memref<16x24x1024xf32, #tpu.memory_space<vmem_shared>> -> memref<1x24x1024xf32, #tpu.memory_space<vmem_shared>>
    %dma_wait3A_42 = tpu.memref_squeeze %dma_wait3A_41 : memref<1x24x1024xf32, #tpu.memory_space<vmem_shared>> -> memref<24x1024xf32, #tpu.memory_space<vmem_shared>>
    %dma_wait3A_43 = arith.constant 0 : i32
    %dma_wait3A_44 = tpu.memref_slice %arg2[%add3A_38, %dma_wait3A_43] : memref<9216x1024xf32, #tpu.memory_space<hbm>> -> memref<24x1024xf32, #tpu.memory_space<hbm>>
    tpu.wait_dma2 semaphore(%arg16 : memref<!tpu.dma_semaphore, #tpu.memory_space<semaphore_mem>>) src(%dma_wait3A_44 : memref<24x1024xf32, #tpu.memory_space<hbm>>) dst(%dma_wait3A_42 : memref<24x1024xf32, #tpu.memory_space<vmem_shared>>)
    %add3A_45 = arith.constant 144 : i32
    %add3A_46 = arith.addi %mul3A_2, %add3A_45 : i32
    %add3A_47 = arith.constant 24 : i32
    %add3A_48 = arith.addi %add3A_46, %add3A_47 : i32
    %dma_start3A_49 = arith.constant 0 : i32
    %dma_start3A_50 = arith.constant 0 : i32
    %dma_start3A_51 = tpu.memref_slice %arg9[%arg1, %dma_start3A_49, %dma_start3A_50] : memref<16x24x1024xf32, #tpu.memory_space<vmem_shared>> -> memref<1x24x1024xf32, #tpu.memory_space<vmem_shared>>
    %dma_start3A_52 = tpu.memref_squeeze %dma_start3A_51 : memref<1x24x1024xf32, #tpu.memory_space<vmem_shared>> -> memref<24x1024xf32, #tpu.memory_space<vmem_shared>>
    %dma_start3A_53 = arith.constant 0 : i32
    %dma_start3A_54 = tpu.memref_slice %arg2[%add3A_48, %dma_start3A_53] : memref<9216x1024xf32, #tpu.memory_space<hbm>> -> memref<24x1024xf32, #tpu.memory_space<hbm>>
    tpu.enqueue_dma source(%dma_start3A_54 : memref<24x1024xf32, #tpu.memory_space<hbm>>) target(%dma_start3A_52 : memref<24x1024xf32, #tpu.memory_space<vmem_shared>>) target_semaphore(%arg17 : memref<!tpu.dma_semaphore, #tpu.memory_space<semaphore_mem>>)
    %add3A_55 = arith.constant 144 : i32
    %add3A_56 = arith.addi %mul3A_2, %add3A_55 : i32
    %add3A_57 = arith.constant 0 : i32
    %add3A_58 = arith.addi %add3A_56, %add3A_57 : i32
    %dma_start3A_59 = arith.constant 0 : i32
    %dma_start3A_60 = tpu.memref_slice %arg4[%add3A_58, %dma_start3A_59] : memref<9216x1024xf32, #tpu.memory_space<hbm>> -> memref<24x1024xf32, #tpu.memory_space<hbm>>
    %dma_start3A_61 = arith.constant 0 : i32
    %dma_start3A_62 = arith.constant 0 : i32
    %dma_start3A_63 = tpu.memref_slice %arg8[%arg1, %dma_start3A_61, %dma_start3A_62] : memref<16x24x1024xf32, #tpu.memory_space<vmem_shared>> -> memref<1x24x1024xf32, #tpu.memory_space<vmem_shared>>
    %dma_start3A_64 = tpu.memref_squeeze %dma_start3A_63 : memref<1x24x1024xf32, #tpu.memory_space<vmem_shared>> -> memref<24x1024xf32, #tpu.memory_space<vmem_shared>>
    tpu.enqueue_dma source(%dma_start3A_64 : memref<24x1024xf32, #tpu.memory_space<vmem_shared>>) target(%dma_start3A_60 : memref<24x1024xf32, #tpu.memory_space<hbm>>) target_semaphore(%arg18 : memref<!tpu.dma_semaphore, #tpu.memory_space<semaphore_mem>>)
    %add3A_65 = arith.constant 24 : i32
    %add3A_66 = arith.addi %mul3A_2, %add3A_65 : i32
    %dma_wait3A_67 = arith.constant 0 : i32
    %dma_wait3A_68 = tpu.memref_slice %arg2[%add3A_66, %dma_wait3A_67] : memref<9216x1024xf32, #tpu.memory_space<hbm>> -> memref<24x1024xf32, #tpu.memory_space<hbm>>
    %dma_wait3A_69 = arith.constant 0 : i32
    %dma_wait3A_70 = tpu.memref_slice %arg2[%add3A_66, %dma_wait3A_69] : memref<9216x1024xf32, #tpu.memory_space<hbm>> -> memref<24x1024xf32, #tpu.memory_space<hbm>>
    tpu.wait_dma2 semaphore(%arg13 : memref<!tpu.dma_semaphore, #tpu.memory_space<semaphore_mem>>) src(%dma_wait3A_70 : memref<24x1024xf32, #tpu.memory_space<hbm>>) dst(%arg7 : memref<24x1024xf32, #tpu.memory_space<vmem>>)
    %add3A_71 = arith.constant 0 : i32
    %add3A_72 = arith.addi %mul3A_2, %add3A_71 : i32
    %dma_wait3A_73 = arith.constant 0 : i32
    %dma_wait3A_74 = tpu.memref_slice %arg4[%add3A_72, %dma_wait3A_73] : memref<9216x1024xf32, #tpu.memory_space<hbm>> -> memref<24x1024xf32, #tpu.memory_space<hbm>>
    %dma_wait3A_75 = arith.constant 0 : i32
    %dma_wait3A_76 = tpu.memref_slice %arg4[%add3A_72, %dma_wait3A_75] : memref<9216x1024xf32, #tpu.memory_space<hbm>> -> memref<24x1024xf32, #tpu.memory_space<hbm>>
    tpu.wait_dma2 semaphore(%arg14 : memref<!tpu.dma_semaphore, #tpu.memory_space<semaphore_mem>>) src(%arg6 : memref<24x1024xf32, #tpu.memory_space<vmem>>) dst(%dma_wait3A_76 : memref<24x1024xf32, #tpu.memory_space<hbm>>)
    %add3A_77 = arith.constant 48 : i32
    %add3A_78 = arith.addi %mul3A_2, %add3A_77 : i32
    %dma_start3A_79 = arith.constant 0 : i32
    %dma_start3A_80 = tpu.memref_slice %arg2[%add3A_78, %dma_start3A_79] : memref<9216x1024xf32, #tpu.memory_space<hbm>> -> memref<24x1024xf32, #tpu.memory_space<hbm>>
    %dma_start3A_81 = arith.constant 0 : i32
    %dma_start3A_82 = tpu.memref_slice %arg2[%add3A_78, %dma_start3A_81] : memref<9216x1024xf32, #tpu.memory_space<hbm>> -> memref<24x1024xf32, #tpu.memory_space<hbm>>
    tpu.enqueue_dma source(%dma_start3A_82 : memref<24x1024xf32, #tpu.memory_space<hbm>>) target(%arg6 : memref<24x1024xf32, #tpu.memory_space<vmem>>) target_semaphore(%arg12 : memref<!tpu.dma_semaphore, #tpu.memory_space<semaphore_mem>>)
    %add3A_83 = arith.constant 24 : i32
    %add3A_84 = arith.addi %mul3A_2, %add3A_83 : i32
    %dma_start3A_85 = arith.constant 0 : i32
    %dma_start3A_86 = tpu.memref_slice %arg4[%add3A_84, %dma_start3A_85] : memref<9216x1024xf32, #tpu.memory_space<hbm>> -> memref<24x1024xf32, #tpu.memory_space<hbm>>
    %dma_start3A_87 = arith.constant 0 : i32
    %dma_start3A_88 = tpu.memref_slice %arg4[%add3A_84, %dma_start3A_87] : memref<9216x1024xf32, #tpu.memory_space<hbm>> -> memref<24x1024xf32, #tpu.memory_space<hbm>>
    tpu.enqueue_dma source(%arg7 : memref<24x1024xf32, #tpu.memory_space<vmem>>) target(%dma_start3A_88 : memref<24x1024xf32, #tpu.memory_space<hbm>>) target_semaphore(%arg15 : memref<!tpu.dma_semaphore, #tpu.memory_space<semaphore_mem>>)
    %add3A_89 = arith.constant 144 : i32
    %add3A_90 = arith.addi %mul3A_2, %add3A_89 : i32
    %add3A_91 = arith.constant 24 : i32
    %add3A_92 = arith.addi %add3A_90, %add3A_91 : i32
    %dma_wait3A_93 = arith.constant 0 : i32
    %dma_wait3A_94 = arith.constant 0 : i32
    %dma_wait3A_95 = tpu.memref_slice %arg9[%arg1, %dma_wait3A_93, %dma_wait3A_94] : memref<16x24x1024xf32, #tpu.memory_space<vmem_shared>> -> memref<1x24x1024xf32, #tpu.memory_space<vmem_shared>>
    %dma_wait3A_96 = tpu.memref_squeeze %dma_wait3A_95 : memref<1x24x1024xf32, #tpu.memory_space<vmem_shared>> -> memref<24x1024xf32, #tpu.memory_space<vmem_shared>>
    %dma_wait3A_97 = arith.constant 0 : i32
    %dma_wait3A_98 = tpu.memref_slice %arg2[%add3A_92, %dma_wait3A_97] : memref<9216x1024xf32, #tpu.memory_space<hbm>> -> memref<24x1024xf32, #tpu.memory_space<hbm>>
    tpu.wait_dma2 semaphore(%arg17 : memref<!tpu.dma_semaphore, #tpu.memory_space<semaphore_mem>>) src(%dma_wait3A_98 : memref<24x1024xf32, #tpu.memory_space<hbm>>) dst(%dma_wait3A_96 : memref<24x1024xf32, #tpu.memory_space<vmem_shared>>)
    %add3A_99 = arith.constant 144 : i32
    %add3A_100 = arith.addi %mul3A_2, %add3A_99 : i32
    %add3A_101 = arith.constant 0 : i32
    %add3A_102 = arith.addi %add3A_100, %add3A_101 : i32
    %dma_wait3A_103 = arith.constant 0 : i32
    %dma_wait3A_104 = tpu.memref_slice %arg4[%add3A_102, %dma_wait3A_103] : memref<9216x1024xf32, #tpu.memory_space<hbm>> -> memref<24x1024xf32, #tpu.memory_space<hbm>>
    %dma_wait3A_105 = arith.constant 0 : i32
    %dma_wait3A_106 = arith.constant 0 : i32
    %dma_wait3A_107 = tpu.memref_slice %arg8[%arg1, %dma_wait3A_105, %dma_wait3A_106] : memref<16x24x1024xf32, #tpu.memory_space<vmem_shared>> -> memref<1x24x1024xf32, #tpu.memory_space<vmem_shared>>
    %dma_wait3A_108 = tpu.memref_squeeze %dma_wait3A_107 : memref<1x24x1024xf32, #tpu.memory_space<vmem_shared>> -> memref<24x1024xf32, #tpu.memory_space<vmem_shared>>
    tpu.wait_dma2 semaphore(%arg18 : memref<!tpu.dma_semaphore, #tpu.memory_space<semaphore_mem>>) src(%dma_wait3A_108 : memref<24x1024xf32, #tpu.memory_space<vmem_shared>>) dst(%dma_wait3A_104 : memref<24x1024xf32, #tpu.memory_space<hbm>>)
    %add3A_109 = arith.constant 144 : i32
    %add3A_110 = arith.addi %mul3A_2, %add3A_109 : i32
    %add3A_111 = arith.constant 48 : i32
    %add3A_112 = arith.addi %add3A_110, %add3A_111 : i32
    %dma_start3A_113 = arith.constant 0 : i32
    %dma_start3A_114 = arith.constant 0 : i32
    %dma_start3A_115 = tpu.memref_slice %arg8[%arg1, %dma_start3A_113, %dma_start3A_114] : memref<16x24x1024xf32, #tpu.memory_space<vmem_shared>> -> memref<1x24x1024xf32, #tpu.memory_space<vmem_shared>>
    %dma_start3A_116 = tpu.memref_squeeze %dma_start3A_115 : memref<1x24x1024xf32, #tpu.memory_space<vmem_shared>> -> memref<24x1024xf32, #tpu.memory_space<vmem_shared>>
    %dma_start3A_117 = arith.constant 0 : i32
    %dma_start3A_118 = tpu.memref_slice %arg2[%add3A_112, %dma_start3A_117] : memref<9216x1024xf32, #tpu.memory_space<hbm>> -> memref<24x1024xf32, #tpu.memory_space<hbm>>
    tpu.enqueue_dma source(%dma_start3A_118 : memref<24x1024xf32, #tpu.memory_space<hbm>>) target(%dma_start3A_116 : memref<24x1024xf32, #tpu.memory_space<vmem_shared>>) target_semaphore(%arg16 : memref<!tpu.dma_semaphore, #tpu.memory_space<semaphore_mem>>)
    %add3A_119 = arith.constant 144 : i32
    %add3A_120 = arith.addi %mul3A_2, %add3A_119 : i32
    %add3A_121 = arith.constant 24 : i32
    %add3A_122 = arith.addi %add3A_120, %add3A_121 : i32
    %dma_start3A_123 = arith.constant 0 : i32
    %dma_start3A_124 = tpu.memref_slice %arg4[%add3A_122, %dma_start3A_123] : memref<9216x1024xf32, #tpu.memory_space<hbm>> -> memref<24x1024xf32, #tpu.memory_space<hbm>>
    %dma_start3A_125 = arith.constant 0 : i32
    %dma_start3A_126 = arith.constant 0 : i32
    %dma_start3A_127 = tpu.memref_slice %arg9[%arg1, %dma_start3A_125, %dma_start3A_126] : memref<16x24x1024xf32, #tpu.memory_space<vmem_shared>> -> memref<1x24x1024xf32, #tpu.memory_space<vmem_shared>>
    %dma_start3A_128 = tpu.memref_squeeze %dma_start3A_127 : memref<1x24x1024xf32, #tpu.memory_space<vmem_shared>> -> memref<24x1024xf32, #tpu.memory_space<vmem_shared>>
    tpu.enqueue_dma source(%dma_start3A_128 : memref<24x1024xf32, #tpu.memory_space<vmem_shared>>) target(%dma_start3A_124 : memref<24x1024xf32, #tpu.memory_space<hbm>>) target_semaphore(%arg19 : memref<!tpu.dma_semaphore, #tpu.memory_space<semaphore_mem>>)
    %add3A_129 = arith.constant 48 : i32
    %add3A_130 = arith.addi %mul3A_2, %add3A_129 : i32
    %dma_wait3A_131 = arith.constant 0 : i32
    %dma_wait3A_132 = tpu.memref_slice %arg2[%add3A_130, %dma_wait3A_131] : memref<9216x1024xf32, #tpu.memory_space<hbm>> -> memref<24x1024xf32, #tpu.memory_space<hbm>>
    %dma_wait3A_133 = arith.constant 0 : i32
    %dma_wait3A_134 = tpu.memref_slice %arg2[%add3A_130, %dma_wait3A_133] : memref<9216x1024xf32, #tpu.memory_space<hbm>> -> memref<24x1024xf32, #tpu.memory_space<hbm>>
    tpu.wait_dma2 semaphore(%arg12 : memref<!tpu.dma_semaphore, #tpu.memory_space<semaphore_mem>>) src(%dma_wait3A_134 : memref<24x1024xf32, #tpu.memory_space<hbm>>) dst(%arg6 : memref<24x1024xf32, #tpu.memory_space<vmem>>)
    %add3A_135 = arith.constant 24 : i32
    %add3A_136 = arith.addi %mul3A_2, %add3A_135 : i32
    %dma_wait3A_137 = arith.constant 0 : i32
    %dma_wait3A_138 = tpu.memref_slice %arg4[%add3A_136, %dma_wait3A_137] : memref<9216x1024xf32, #tpu.memory_space<hbm>> -> memref<24x1024xf32, #tpu.memory_space<hbm>>
    %dma_wait3A_139 = arith.constant 0 : i32
    %dma_wait3A_140 = tpu.memref_slice %arg4[%add3A_136, %dma_wait3A_139] : memref<9216x1024xf32, #tpu.memory_space<hbm>> -> memref<24x1024xf32, #tpu.memory_space<hbm>>
    tpu.wait_dma2 semaphore(%arg15 : memref<!tpu.dma_semaphore, #tpu.memory_space<semaphore_mem>>) src(%arg7 : memref<24x1024xf32, #tpu.memory_space<vmem>>) dst(%dma_wait3A_140 : memref<24x1024xf32, #tpu.memory_space<hbm>>)
    %add3A_141 = arith.constant 72 : i32
    %add3A_142 = arith.addi %mul3A_2, %add3A_141 : i32
    %dma_start3A_143 = arith.constant 0 : i32
    %dma_start3A_144 = tpu.memref_slice %arg2[%add3A_142, %dma_start3A_143] : memref<9216x1024xf32, #tpu.memory_space<hbm>> -> memref<24x1024xf32, #tpu.memory_space<hbm>>
    %dma_start3A_145 = arith.constant 0 : i32
    %dma_start3A_146 = tpu.memref_slice %arg2[%add3A_142, %dma_start3A_145] : memref<9216x1024xf32, #tpu.memory_space<hbm>> -> memref<24x1024xf32, #tpu.memory_space<hbm>>
    tpu.enqueue_dma source(%dma_start3A_146 : memref<24x1024xf32, #tpu.memory_space<hbm>>) target(%arg7 : memref<24x1024xf32, #tpu.memory_space<vmem>>) target_semaphore(%arg13 : memref<!tpu.dma_semaphore, #tpu.memory_space<semaphore_mem>>)
    %add3A_147 = arith.constant 48 : i32
    %add3A_148 = arith.addi %mul3A_2, %add3A_147 : i32
    %dma_start3A_149 = arith.constant 0 : i32
    %dma_start3A_150 = tpu.memref_slice %arg4[%add3A_148, %dma_start3A_149] : memref<9216x1024xf32, #tpu.memory_space<hbm>> -> memref<24x1024xf32, #tpu.memory_space<hbm>>
    %dma_start3A_151 = arith.constant 0 : i32
    %dma_start3A_152 = tpu.memref_slice %arg4[%add3A_148, %dma_start3A_151] : memref<9216x1024xf32, #tpu.memory_space<hbm>> -> memref<24x1024xf32, #tpu.memory_space<hbm>>
    tpu.enqueue_dma source(%arg6 : memref<24x1024xf32, #tpu.memory_space<vmem>>) target(%dma_start3A_152 : memref<24x1024xf32, #tpu.memory_space<hbm>>) target_semaphore(%arg14 : memref<!tpu.dma_semaphore, #tpu.memory_space<semaphore_mem>>)
    %add3A_153 = arith.constant 144 : i32
    %add3A_154 = arith.addi %mul3A_2, %add3A_153 : i32
    %add3A_155 = arith.constant 48 : i32
    %add3A_156 = arith.addi %add3A_154, %add3A_155 : i32
    %dma_wait3A_157 = arith.constant 0 : i32
    %dma_wait3A_158 = arith.constant 0 : i32
    %dma_wait3A_159 = tpu.memref_slice %arg8[%arg1, %dma_wait3A_157, %dma_wait3A_158] : memref<16x24x1024xf32, #tpu.memory_space<vmem_shared>> -> memref<1x24x1024xf32, #tpu.memory_space<vmem_shared>>
    %dma_wait3A_160 = tpu.memref_squeeze %dma_wait3A_159 : memref<1x24x1024xf32, #tpu.memory_space<vmem_shared>> -> memref<24x1024xf32, #tpu.memory_space<vmem_shared>>
    %dma_wait3A_161 = arith.constant 0 : i32
    %dma_wait3A_162 = tpu.memref_slice %arg2[%add3A_156, %dma_wait3A_161] : memref<9216x1024xf32, #tpu.memory_space<hbm>> -> memref<24x1024xf32, #tpu.memory_space<hbm>>
    tpu.wait_dma2 semaphore(%arg16 : memref<!tpu.dma_semaphore, #tpu.memory_space<semaphore_mem>>) src(%dma_wait3A_162 : memref<24x1024xf32, #tpu.memory_space<hbm>>) dst(%dma_wait3A_160 : memref<24x1024xf32, #tpu.memory_space<vmem_shared>>)
    %add3A_163 = arith.constant 144 : i32
    %add3A_164 = arith.addi %mul3A_2, %add3A_163 : i32
    %add3A_165 = arith.constant 24 : i32
    %add3A_166 = arith.addi %add3A_164, %add3A_165 : i32
    %dma_wait3A_167 = arith.constant 0 : i32
    %dma_wait3A_168 = tpu.memref_slice %arg4[%add3A_166, %dma_wait3A_167] : memref<9216x1024xf32, #tpu.memory_space<hbm>> -> memref<24x1024xf32, #tpu.memory_space<hbm>>
    %dma_wait3A_169 = arith.constant 0 : i32
    %dma_wait3A_170 = arith.constant 0 : i32
    %dma_wait3A_171 = tpu.memref_slice %arg9[%arg1, %dma_wait3A_169, %dma_wait3A_170] : memref<16x24x1024xf32, #tpu.memory_space<vmem_shared>> -> memref<1x24x1024xf32, #tpu.memory_space<vmem_shared>>
    %dma_wait3A_172 = tpu.memref_squeeze %dma_wait3A_171 : memref<1x24x1024xf32, #tpu.memory_space<vmem_shared>> -> memref<24x1024xf32, #tpu.memory_space<vmem_shared>>
    tpu.wait_dma2 semaphore(%arg19 : memref<!tpu.dma_semaphore, #tpu.memory_space<semaphore_mem>>) src(%dma_wait3A_172 : memref<24x1024xf32, #tpu.memory_space<vmem_shared>>) dst(%dma_wait3A_168 : memref<24x1024xf32, #tpu.memory_space<hbm>>)
    %add3A_173 = arith.constant 144 : i32
    %add3A_174 = arith.addi %mul3A_2, %add3A_173 : i32
    %add3A_175 = arith.constant 72 : i32
    %add3A_176 = arith.addi %add3A_174, %add3A_175 : i32
    %dma_start3A_177 = arith.constant 0 : i32
    %dma_start3A_178 = arith.constant 0 : i32
    %dma_start3A_179 = tpu.memref_slice %arg9[%arg1, %dma_start3A_177, %dma_start3A_178] : memref<16x24x1024xf32, #tpu.memory_space<vmem_shared>> -> memref<1x24x1024xf32, #tpu.memory_space<vmem_shared>>
    %dma_start3A_180 = tpu.memref_squeeze %dma_start3A_179 : memref<1x24x1024xf32, #tpu.memory_space<vmem_shared>> -> memref<24x1024xf32, #tpu.memory_space<vmem_shared>>
    %dma_start3A_181 = arith.constant 0 : i32
    %dma_start3A_182 = tpu.memref_slice %arg2[%add3A_176, %dma_start3A_181] : memref<9216x1024xf32, #tpu.memory_space<hbm>> -> memref<24x1024xf32, #tpu.memory_space<hbm>>
    tpu.enqueue_dma source(%dma_start3A_182 : memref<24x1024xf32, #tpu.memory_space<hbm>>) target(%dma_start3A_180 : memref<24x1024xf32, #tpu.memory_space<vmem_shared>>) target_semaphore(%arg17 : memref<!tpu.dma_semaphore, #tpu.memory_space<semaphore_mem>>)
    %add3A_183 = arith.constant 144 : i32
    %add3A_184 = arith.addi %mul3A_2, %add3A_183 : i32
    %add3A_185 = arith.constant 48 : i32
    %add3A_186 = arith.addi %add3A_184, %add3A_185 : i32
    %dma_start3A_187 = arith.constant 0 : i32
    %dma_start3A_188 = tpu.memref_slice %arg4[%add3A_186, %dma_start3A_187] : memref<9216x1024xf32, #tpu.memory_space<hbm>> -> memref<24x1024xf32, #tpu.memory_space<hbm>>
    %dma_start3A_189 = arith.constant 0 : i32
    %dma_start3A_190 = arith.constant 0 : i32
    %dma_start3A_191 = tpu.memref_slice %arg8[%arg1, %dma_start3A_189, %dma_start3A_190] : memref<16x24x1024xf32, #tpu.memory_space<vmem_shared>> -> memref<1x24x1024xf32, #tpu.memory_space<vmem_shared>>
    %dma_start3A_192 = tpu.memref_squeeze %dma_start3A_191 : memref<1x24x1024xf32, #tpu.memory_space<vmem_shared>> -> memref<24x1024xf32, #tpu.memory_space<vmem_shared>>
    tpu.enqueue_dma source(%dma_start3A_192 : memref<24x1024xf32, #tpu.memory_space<vmem_shared>>) target(%dma_start3A_188 : memref<24x1024xf32, #tpu.memory_space<hbm>>) target_semaphore(%arg18 : memref<!tpu.dma_semaphore, #tpu.memory_space<semaphore_mem>>)
    %add3A_193 = arith.constant 72 : i32
    %add3A_194 = arith.addi %mul3A_2, %add3A_193 : i32
    %dma_wait3A_195 = arith.constant 0 : i32
    %dma_wait3A_196 = tpu.memref_slice %arg2[%add3A_194, %dma_wait3A_195] : memref<9216x1024xf32, #tpu.memory_space<hbm>> -> memref<24x1024xf32, #tpu.memory_space<hbm>>
    %dma_wait3A_197 = arith.constant 0 : i32
    %dma_wait3A_198 = tpu.memref_slice %arg2[%add3A_194, %dma_wait3A_197] : memref<9216x1024xf32, #tpu.memory_space<hbm>> -> memref<24x1024xf32, #tpu.memory_space<hbm>>
    tpu.wait_dma2 semaphore(%arg13 : memref<!tpu.dma_semaphore, #tpu.memory_space<semaphore_mem>>) src(%dma_wait3A_198 : memref<24x1024xf32, #tpu.memory_space<hbm>>) dst(%arg7 : memref<24x1024xf32, #tpu.memory_space<vmem>>)
    %add3A_199 = arith.constant 48 : i32
    %add3A_200 = arith.addi %mul3A_2, %add3A_199 : i32
    %dma_wait3A_201 = arith.constant 0 : i32
    %dma_wait3A_202 = tpu.memref_slice %arg4[%add3A_200, %dma_wait3A_201] : memref<9216x1024xf32, #tpu.memory_space<hbm>> -> memref<24x1024xf32, #tpu.memory_space<hbm>>
    %dma_wait3A_203 = arith.constant 0 : i32
    %dma_wait3A_204 = tpu.memref_slice %arg4[%add3A_200, %dma_wait3A_203] : memref<9216x1024xf32, #tpu.memory_space<hbm>> -> memref<24x1024xf32, #tpu.memory_space<hbm>>
    tpu.wait_dma2 semaphore(%arg14 : memref<!tpu.dma_semaphore, #tpu.memory_space<semaphore_mem>>) src(%arg6 : memref<24x1024xf32, #tpu.memory_space<vmem>>) dst(%dma_wait3A_204 : memref<24x1024xf32, #tpu.memory_space<hbm>>)
    %add3A_205 = arith.constant 96 : i32
    %add3A_206 = arith.addi %mul3A_2, %add3A_205 : i32
    %dma_start3A_207 = arith.constant 0 : i32
    %dma_start3A_208 = tpu.memref_slice %arg2[%add3A_206, %dma_start3A_207] : memref<9216x1024xf32, #tpu.memory_space<hbm>> -> memref<24x1024xf32, #tpu.memory_space<hbm>>
    %dma_start3A_209 = arith.constant 0 : i32
    %dma_start3A_210 = tpu.memref_slice %arg2[%add3A_206, %dma_start3A_209] : memref<9216x1024xf32, #tpu.memory_space<hbm>> -> memref<24x1024xf32, #tpu.memory_space<hbm>>
    tpu.enqueue_dma source(%dma_start3A_210 : memref<24x1024xf32, #tpu.memory_space<hbm>>) target(%arg6 : memref<24x1024xf32, #tpu.memory_space<vmem>>) target_semaphore(%arg12 : memref<!tpu.dma_semaphore, #tpu.memory_space<semaphore_mem>>)
    %add3A_211 = arith.constant 72 : i32
    %add3A_212 = arith.addi %mul3A_2, %add3A_211 : i32
    %dma_start3A_213 = arith.constant 0 : i32
    %dma_start3A_214 = tpu.memref_slice %arg4[%add3A_212, %dma_start3A_213] : memref<9216x1024xf32, #tpu.memory_space<hbm>> -> memref<24x1024xf32, #tpu.memory_space<hbm>>
    %dma_start3A_215 = arith.constant 0 : i32
    %dma_start3A_216 = tpu.memref_slice %arg4[%add3A_212, %dma_start3A_215] : memref<9216x1024xf32, #tpu.memory_space<hbm>> -> memref<24x1024xf32, #tpu.memory_space<hbm>>
    tpu.enqueue_dma source(%arg7 : memref<24x1024xf32, #tpu.memory_space<vmem>>) target(%dma_start3A_216 : memref<24x1024xf32, #tpu.memory_space<hbm>>) target_semaphore(%arg15 : memref<!tpu.dma_semaphore, #tpu.memory_space<semaphore_mem>>)
    %add3A_217 = arith.constant 144 : i32
    %add3A_218 = arith.addi %mul3A_2, %add3A_217 : i32
    %add3A_219 = arith.constant 72 : i32
    %add3A_220 = arith.addi %add3A_218, %add3A_219 : i32
    %dma_wait3A_221 = arith.constant 0 : i32
    %dma_wait3A_222 = arith.constant 0 : i32
    %dma_wait3A_223 = tpu.memref_slice %arg9[%arg1, %dma_wait3A_221, %dma_wait3A_222] : memref<16x24x1024xf32, #tpu.memory_space<vmem_shared>> -> memref<1x24x1024xf32, #tpu.memory_space<vmem_shared>>
    %dma_wait3A_224 = tpu.memref_squeeze %dma_wait3A_223 : memref<1x24x1024xf32, #tpu.memory_space<vmem_shared>> -> memref<24x1024xf32, #tpu.memory_space<vmem_shared>>
    %dma_wait3A_225 = arith.constant 0 : i32
    %dma_wait3A_226 = tpu.memref_slice %arg2[%add3A_220, %dma_wait3A_225] : memref<9216x1024xf32, #tpu.memory_space<hbm>> -> memref<24x1024xf32, #tpu.memory_space<hbm>>
    tpu.wait_dma2 semaphore(%arg17 : memref<!tpu.dma_semaphore, #tpu.memory_space<semaphore_mem>>) src(%dma_wait3A_226 : memref<24x1024xf32, #tpu.memory_space<hbm>>) dst(%dma_wait3A_224 : memref<24x1024xf32, #tpu.memory_space<vmem_shared>>)
    %add3A_227 = arith.constant 144 : i32
    %add3A_228 = arith.addi %mul3A_2, %add3A_227 : i32
    %add3A_229 = arith.constant 48 : i32
    %add3A_230 = arith.addi %add3A_228, %add3A_229 : i32
    %dma_wait3A_231 = arith.constant 0 : i32
    %dma_wait3A_232 = tpu.memref_slice %arg4[%add3A_230, %dma_wait3A_231] : memref<9216x1024xf32, #tpu.memory_space<hbm>> -> memref<24x1024xf32, #tpu.memory_space<hbm>>
    %dma_wait3A_233 = arith.constant 0 : i32
    %dma_wait3A_234 = arith.constant 0 : i32
    %dma_wait3A_235 = tpu.memref_slice %arg8[%arg1, %dma_wait3A_233, %dma_wait3A_234] : memref<16x24x1024xf32, #tpu.memory_space<vmem_shared>> -> memref<1x24x1024xf32, #tpu.memory_space<vmem_shared>>
    %dma_wait3A_236 = tpu.memref_squeeze %dma_wait3A_235 : memref<1x24x1024xf32, #tpu.memory_space<vmem_shared>> -> memref<24x1024xf32, #tpu.memory_space<vmem_shared>>
    tpu.wait_dma2 semaphore(%arg18 : memref<!tpu.dma_semaphore, #tpu.memory_space<semaphore_mem>>) src(%dma_wait3A_236 : memref<24x1024xf32, #tpu.memory_space<vmem_shared>>) dst(%dma_wait3A_232 : memref<24x1024xf32, #tpu.memory_space<hbm>>)
    %add3A_237 = arith.constant 144 : i32
    %add3A_238 = arith.addi %mul3A_2, %add3A_237 : i32
    %add3A_239 = arith.constant 96 : i32
    %add3A_240 = arith.addi %add3A_238, %add3A_239 : i32
    %dma_start3A_241 = arith.constant 0 : i32
    %dma_start3A_242 = arith.constant 0 : i32
    %dma_start3A_243 = tpu.memref_slice %arg8[%arg1, %dma_start3A_241, %dma_start3A_242] : memref<16x24x1024xf32, #tpu.memory_space<vmem_shared>> -> memref<1x24x1024xf32, #tpu.memory_space<vmem_shared>>
    %dma_start3A_244 = tpu.memref_squeeze %dma_start3A_243 : memref<1x24x1024xf32, #tpu.memory_space<vmem_shared>> -> memref<24x1024xf32, #tpu.memory_space<vmem_shared>>
    %dma_start3A_245 = arith.constant 0 : i32
    %dma_start3A_246 = tpu.memref_slice %arg2[%add3A_240, %dma_start3A_245] : memref<9216x1024xf32, #tpu.memory_space<hbm>> -> memref<24x1024xf32, #tpu.memory_space<hbm>>
    tpu.enqueue_dma source(%dma_start3A_246 : memref<24x1024xf32, #tpu.memory_space<hbm>>) target(%dma_start3A_244 : memref<24x1024xf32, #tpu.memory_space<vmem_shared>>) target_semaphore(%arg16 : memref<!tpu.dma_semaphore, #tpu.memory_space<semaphore_mem>>)
    %add3A_247 = arith.constant 144 : i32
    %add3A_248 = arith.addi %mul3A_2, %add3A_247 : i32
    %add3A_249 = arith.constant 72 : i32
    %add3A_250 = arith.addi %add3A_248, %add3A_249 : i32
    %dma_start3A_251 = arith.constant 0 : i32
    %dma_start3A_252 = tpu.memref_slice %arg4[%add3A_250, %dma_start3A_251] : memref<9216x1024xf32, #tpu.memory_space<hbm>> -> memref<24x1024xf32, #tpu.memory_space<hbm>>
    %dma_start3A_253 = arith.constant 0 : i32
    %dma_start3A_254 = arith.constant 0 : i32
    %dma_start3A_255 = tpu.memref_slice %arg9[%arg1, %dma_start3A_253, %dma_start3A_254] : memref<16x24x1024xf32, #tpu.memory_space<vmem_shared>> -> memref<1x24x1024xf32, #tpu.memory_space<vmem_shared>>
    %dma_start3A_256 = tpu.memref_squeeze %dma_start3A_255 : memref<1x24x1024xf32, #tpu.memory_space<vmem_shared>> -> memref<24x1024xf32, #tpu.memory_space<vmem_shared>>
    tpu.enqueue_dma source(%dma_start3A_256 : memref<24x1024xf32, #tpu.memory_space<vmem_shared>>) target(%dma_start3A_252 : memref<24x1024xf32, #tpu.memory_space<hbm>>) target_semaphore(%arg19 : memref<!tpu.dma_semaphore, #tpu.memory_space<semaphore_mem>>)
    %add3A_257 = arith.constant 96 : i32
    %add3A_258 = arith.addi %mul3A_2, %add3A_257 : i32
    %dma_wait3A_259 = arith.constant 0 : i32
    %dma_wait3A_260 = tpu.memref_slice %arg2[%add3A_258, %dma_wait3A_259] : memref<9216x1024xf32, #tpu.memory_space<hbm>> -> memref<24x1024xf32, #tpu.memory_space<hbm>>
    %dma_wait3A_261 = arith.constant 0 : i32
    %dma_wait3A_262 = tpu.memref_slice %arg2[%add3A_258, %dma_wait3A_261] : memref<9216x1024xf32, #tpu.memory_space<hbm>> -> memref<24x1024xf32, #tpu.memory_space<hbm>>
    tpu.wait_dma2 semaphore(%arg12 : memref<!tpu.dma_semaphore, #tpu.memory_space<semaphore_mem>>) src(%dma_wait3A_262 : memref<24x1024xf32, #tpu.memory_space<hbm>>) dst(%arg6 : memref<24x1024xf32, #tpu.memory_space<vmem>>)
    %add3A_263 = arith.constant 72 : i32
    %add3A_264 = arith.addi %mul3A_2, %add3A_263 : i32
    %dma_wait3A_265 = arith.constant 0 : i32
    %dma_wait3A_266 = tpu.memref_slice %arg4[%add3A_264, %dma_wait3A_265] : memref<9216x1024xf32, #tpu.memory_space<hbm>> -> memref<24x1024xf32, #tpu.memory_space<hbm>>
    %dma_wait3A_267 = arith.constant 0 : i32
    %dma_wait3A_268 = tpu.memref_slice %arg4[%add3A_264, %dma_wait3A_267] : memref<9216x1024xf32, #tpu.memory_space<hbm>> -> memref<24x1024xf32, #tpu.memory_space<hbm>>
    tpu.wait_dma2 semaphore(%arg15 : memref<!tpu.dma_semaphore, #tpu.memory_space<semaphore_mem>>) src(%arg7 : memref<24x1024xf32, #tpu.memory_space<vmem>>) dst(%dma_wait3A_268 : memref<24x1024xf32, #tpu.memory_space<hbm>>)
    %add3A_269 = arith.constant 120 : i32
    %add3A_270 = arith.addi %mul3A_2, %add3A_269 : i32
    %dma_start3A_271 = arith.constant 0 : i32
    %dma_start3A_272 = tpu.memref_slice %arg2[%add3A_270, %dma_start3A_271] : memref<9216x1024xf32, #tpu.memory_space<hbm>> -> memref<24x1024xf32, #tpu.memory_space<hbm>>
    %dma_start3A_273 = arith.constant 0 : i32
    %dma_start3A_274 = tpu.memref_slice %arg2[%add3A_270, %dma_start3A_273] : memref<9216x1024xf32, #tpu.memory_space<hbm>> -> memref<24x1024xf32, #tpu.memory_space<hbm>>
    tpu.enqueue_dma source(%dma_start3A_274 : memref<24x1024xf32, #tpu.memory_space<hbm>>) target(%arg7 : memref<24x1024xf32, #tpu.memory_space<vmem>>) target_semaphore(%arg13 : memref<!tpu.dma_semaphore, #tpu.memory_space<semaphore_mem>>)
    %add3A_275 = arith.constant 96 : i32
    %add3A_276 = arith.addi %mul3A_2, %add3A_275 : i32
    %dma_start3A_277 = arith.constant 0 : i32
    %dma_start3A_278 = tpu.memref_slice %arg4[%add3A_276, %dma_start3A_277] : memref<9216x1024xf32, #tpu.memory_space<hbm>> -> memref<24x1024xf32, #tpu.memory_space<hbm>>
    %dma_start3A_279 = arith.constant 0 : i32
    %dma_start3A_280 = tpu.memref_slice %arg4[%add3A_276, %dma_start3A_279] : memref<9216x1024xf32, #tpu.memory_space<hbm>> -> memref<24x1024xf32, #tpu.memory_space<hbm>>
    tpu.enqueue_dma source(%arg6 : memref<24x1024xf32, #tpu.memory_space<vmem>>) target(%dma_start3A_280 : memref<24x1024xf32, #tpu.memory_space<hbm>>) target_semaphore(%arg14 : memref<!tpu.dma_semaphore, #tpu.memory_space<semaphore_mem>>)
    %add3A_281 = arith.constant 144 : i32
    %add3A_282 = arith.addi %mul3A_2, %add3A_281 : i32
    %add3A_283 = arith.constant 96 : i32
    %add3A_284 = arith.addi %add3A_282, %add3A_283 : i32
    %dma_wait3A_285 = arith.constant 0 : i32
    %dma_wait3A_286 = arith.constant 0 : i32
    %dma_wait3A_287 = tpu.memref_slice %arg8[%arg1, %dma_wait3A_285, %dma_wait3A_286] : memref<16x24x1024xf32, #tpu.memory_space<vmem_shared>> -> memref<1x24x1024xf32, #tpu.memory_space<vmem_shared>>
    %dma_wait3A_288 = tpu.memref_squeeze %dma_wait3A_287 : memref<1x24x1024xf32, #tpu.memory_space<vmem_shared>> -> memref<24x1024xf32, #tpu.memory_space<vmem_shared>>
    %dma_wait3A_289 = arith.constant 0 : i32
    %dma_wait3A_290 = tpu.memref_slice %arg2[%add3A_284, %dma_wait3A_289] : memref<9216x1024xf32, #tpu.memory_space<hbm>> -> memref<24x1024xf32, #tpu.memory_space<hbm>>
    tpu.wait_dma2 semaphore(%arg16 : memref<!tpu.dma_semaphore, #tpu.memory_space<semaphore_mem>>) src(%dma_wait3A_290 : memref<24x1024xf32, #tpu.memory_space<hbm>>) dst(%dma_wait3A_288 : memref<24x1024xf32, #tpu.memory_space<vmem_shared>>)
    %add3A_291 = arith.constant 144 : i32
    %add3A_292 = arith.addi %mul3A_2, %add3A_291 : i32
    %add3A_293 = arith.constant 72 : i32
    %add3A_294 = arith.addi %add3A_292, %add3A_293 : i32
    %dma_wait3A_295 = arith.constant 0 : i32
    %dma_wait3A_296 = tpu.memref_slice %arg4[%add3A_294, %dma_wait3A_295] : memref<9216x1024xf32, #tpu.memory_space<hbm>> -> memref<24x1024xf32, #tpu.memory_space<hbm>>
    %dma_wait3A_297 = arith.constant 0 : i32
    %dma_wait3A_298 = arith.constant 0 : i32
    %dma_wait3A_299 = tpu.memref_slice %arg9[%arg1, %dma_wait3A_297, %dma_wait3A_298] : memref<16x24x1024xf32, #tpu.memory_space<vmem_shared>> -> memref<1x24x1024xf32, #tpu.memory_space<vmem_shared>>
    %dma_wait3A_300 = tpu.memref_squeeze %dma_wait3A_299 : memref<1x24x1024xf32, #tpu.memory_space<vmem_shared>> -> memref<24x1024xf32, #tpu.memory_space<vmem_shared>>
    tpu.wait_dma2 semaphore(%arg19 : memref<!tpu.dma_semaphore, #tpu.memory_space<semaphore_mem>>) src(%dma_wait3A_300 : memref<24x1024xf32, #tpu.memory_space<vmem_shared>>) dst(%dma_wait3A_296 : memref<24x1024xf32, #tpu.memory_space<hbm>>)
    %add3A_301 = arith.constant 144 : i32
    %add3A_302 = arith.addi %mul3A_2, %add3A_301 : i32
    %add3A_303 = arith.constant 120 : i32
    %add3A_304 = arith.addi %add3A_302, %add3A_303 : i32
    %dma_start3A_305 = arith.constant 0 : i32
    %dma_start3A_306 = arith.constant 0 : i32
    %dma_start3A_307 = tpu.memref_slice %arg9[%arg1, %dma_start3A_305, %dma_start3A_306] : memref<16x24x1024xf32, #tpu.memory_space<vmem_shared>> -> memref<1x24x1024xf32, #tpu.memory_space<vmem_shared>>
    %dma_start3A_308 = tpu.memref_squeeze %dma_start3A_307 : memref<1x24x1024xf32, #tpu.memory_space<vmem_shared>> -> memref<24x1024xf32, #tpu.memory_space<vmem_shared>>
    %dma_start3A_309 = arith.constant 0 : i32
    %dma_start3A_310 = tpu.memref_slice %arg2[%add3A_304, %dma_start3A_309] : memref<9216x1024xf32, #tpu.memory_space<hbm>> -> memref<24x1024xf32, #tpu.memory_space<hbm>>
    tpu.enqueue_dma source(%dma_start3A_310 : memref<24x1024xf32, #tpu.memory_space<hbm>>) target(%dma_start3A_308 : memref<24x1024xf32, #tpu.memory_space<vmem_shared>>) target_semaphore(%arg17 : memref<!tpu.dma_semaphore, #tpu.memory_space<semaphore_mem>>)
    %add3A_311 = arith.constant 144 : i32
    %add3A_312 = arith.addi %mul3A_2, %add3A_311 : i32
    %add3A_313 = arith.constant 96 : i32
    %add3A_314 = arith.addi %add3A_312, %add3A_313 : i32
    %dma_start3A_315 = arith.constant 0 : i32
    %dma_start3A_316 = tpu.memref_slice %arg4[%add3A_314, %dma_start3A_315] : memref<9216x1024xf32, #tpu.memory_space<hbm>> -> memref<24x1024xf32, #tpu.memory_space<hbm>>
    %dma_start3A_317 = arith.constant 0 : i32
    %dma_start3A_318 = arith.constant 0 : i32
    %dma_start3A_319 = tpu.memref_slice %arg8[%arg1, %dma_start3A_317, %dma_start3A_318] : memref<16x24x1024xf32, #tpu.memory_space<vmem_shared>> -> memref<1x24x1024xf32, #tpu.memory_space<vmem_shared>>
    %dma_start3A_320 = tpu.memref_squeeze %dma_start3A_319 : memref<1x24x1024xf32, #tpu.memory_space<vmem_shared>> -> memref<24x1024xf32, #tpu.memory_space<vmem_shared>>
    tpu.enqueue_dma source(%dma_start3A_320 : memref<24x1024xf32, #tpu.memory_space<vmem_shared>>) target(%dma_start3A_316 : memref<24x1024xf32, #tpu.memory_space<hbm>>) target_semaphore(%arg18 : memref<!tpu.dma_semaphore, #tpu.memory_space<semaphore_mem>>)
    %add3A_321 = arith.constant 120 : i32
    %add3A_322 = arith.addi %mul3A_2, %add3A_321 : i32
    %dma_wait3A_323 = arith.constant 0 : i32
    %dma_wait3A_324 = tpu.memref_slice %arg2[%add3A_322, %dma_wait3A_323] : memref<9216x1024xf32, #tpu.memory_space<hbm>> -> memref<24x1024xf32, #tpu.memory_space<hbm>>
    %dma_wait3A_325 = arith.constant 0 : i32
    %dma_wait3A_326 = tpu.memref_slice %arg2[%add3A_322, %dma_wait3A_325] : memref<9216x1024xf32, #tpu.memory_space<hbm>> -> memref<24x1024xf32, #tpu.memory_space<hbm>>
    tpu.wait_dma2 semaphore(%arg13 : memref<!tpu.dma_semaphore, #tpu.memory_space<semaphore_mem>>) src(%dma_wait3A_326 : memref<24x1024xf32, #tpu.memory_space<hbm>>) dst(%arg7 : memref<24x1024xf32, #tpu.memory_space<vmem>>)
    %add3A_327 = arith.constant 120 : i32
    %add3A_328 = arith.addi %mul3A_2, %add3A_327 : i32
    %dma_start3A_329 = arith.constant 0 : i32
    %dma_start3A_330 = tpu.memref_slice %arg4[%add3A_328, %dma_start3A_329] : memref<9216x1024xf32, #tpu.memory_space<hbm>> -> memref<24x1024xf32, #tpu.memory_space<hbm>>
    %dma_start3A_331 = arith.constant 0 : i32
    %dma_start3A_332 = tpu.memref_slice %arg4[%add3A_328, %dma_start3A_331] : memref<9216x1024xf32, #tpu.memory_space<hbm>> -> memref<24x1024xf32, #tpu.memory_space<hbm>>
    tpu.enqueue_dma source(%arg7 : memref<24x1024xf32, #tpu.memory_space<vmem>>) target(%dma_start3A_332 : memref<24x1024xf32, #tpu.memory_space<hbm>>) target_semaphore(%arg15 : memref<!tpu.dma_semaphore, #tpu.memory_space<semaphore_mem>>)
    %add3A_333 = arith.constant 144 : i32
    %add3A_334 = arith.addi %mul3A_2, %add3A_333 : i32
    %add3A_335 = arith.constant 120 : i32
    %add3A_336 = arith.addi %add3A_334, %add3A_335 : i32
    %dma_wait3A_337 = arith.constant 0 : i32
    %dma_wait3A_338 = arith.constant 0 : i32
    %dma_wait3A_339 = tpu.memref_slice %arg9[%arg1, %dma_wait3A_337, %dma_wait3A_338] : memref<16x24x1024xf32, #tpu.memory_space<vmem_shared>> -> memref<1x24x1024xf32, #tpu.memory_space<vmem_shared>>
    %dma_wait3A_340 = tpu.memref_squeeze %dma_wait3A_339 : memref<1x24x1024xf32, #tpu.memory_space<vmem_shared>> -> memref<24x1024xf32, #tpu.memory_space<vmem_shared>>
    %dma_wait3A_341 = arith.constant 0 : i32
    %dma_wait3A_342 = tpu.memref_slice %arg2[%add3A_336, %dma_wait3A_341] : memref<9216x1024xf32, #tpu.memory_space<hbm>> -> memref<24x1024xf32, #tpu.memory_space<hbm>>
    tpu.wait_dma2 semaphore(%arg17 : memref<!tpu.dma_semaphore, #tpu.memory_space<semaphore_mem>>) src(%dma_wait3A_342 : memref<24x1024xf32, #tpu.memory_space<hbm>>) dst(%dma_wait3A_340 : memref<24x1024xf32, #tpu.memory_space<vmem_shared>>)
    %add3A_343 = arith.constant 144 : i32
    %add3A_344 = arith.addi %mul3A_2, %add3A_343 : i32
    %add3A_345 = arith.constant 120 : i32
    %add3A_346 = arith.addi %add3A_344, %add3A_345 : i32
    %dma_start3A_347 = arith.constant 0 : i32
    %dma_start3A_348 = tpu.memref_slice %arg4[%add3A_346, %dma_start3A_347] : memref<9216x1024xf32, #tpu.memory_space<hbm>> -> memref<24x1024xf32, #tpu.memory_space<hbm>>
    %dma_start3A_349 = arith.constant 0 : i32
    %dma_start3A_350 = arith.constant 0 : i32
    %dma_start3A_351 = tpu.memref_slice %arg9[%arg1, %dma_start3A_349, %dma_start3A_350] : memref<16x24x1024xf32, #tpu.memory_space<vmem_shared>> -> memref<1x24x1024xf32, #tpu.memory_space<vmem_shared>>
    %dma_start3A_352 = tpu.memref_squeeze %dma_start3A_351 : memref<1x24x1024xf32, #tpu.memory_space<vmem_shared>> -> memref<24x1024xf32, #tpu.memory_space<vmem_shared>>
    tpu.enqueue_dma source(%dma_start3A_352 : memref<24x1024xf32, #tpu.memory_space<vmem_shared>>) target(%dma_start3A_348 : memref<24x1024xf32, #tpu.memory_space<hbm>>) target_semaphore(%arg19 : memref<!tpu.dma_semaphore, #tpu.memory_space<semaphore_mem>>)
    tpu.wait_dma2 semaphore(%arg20 : memref<!tpu.dma_semaphore, #tpu.memory_space<semaphore_mem>>) src(%arg3 : memref<8x16xi32, #tpu.memory_space<hbm>>) dst(%arg10 : memref<8x16xi32, #tpu.memory_space<vmem>>)
    %mul3A_353 = arith.constant 64 : i32
    %mul3A_354 = arith.muli %add3A, %mul3A_353 : i32
    %iota3A = tpu.iota {dimensions = array<i32: 0>} : vector<16xi32>
    %broadcast_in_dim3A = vector.broadcast %mul3A_354 : i32 to vector<16xi32>
    %add3A_355 = arith.addi %iota3A, %broadcast_in_dim3A : vector<16xi32>
    %add3A_356 = arith.constant 0 : i32
    %add3A_357 = vector.broadcast %add3A_356 : i32 to vector<16xi32>
    %add3A_358 = arith.addi %add3A_355, %add3A_357 : vector<16xi32>
    %get3A = arith.constant 0 : i32
    %get3A_359 = arith.index_cast %get3A : i32 to index
    %get3A_360 = arith.constant 0 : index
    %get3A_361 = tpu.vector_load %arg10[%get3A_359, %get3A_360] {strides = array<i32>} : memref<8x16xi32, #tpu.memory_space<vmem>>, vector<1x16xi32>,
    %get3A_362 = vector.shape_cast %get3A_361 : vector<1x16xi32> to vector<16xi32>
    %sub3A = arith.subi %get3A_362, %add3A_358 : vector<16xi32>
    %max3A = arith.constant 0 : i32
    %max3A_363 = vector.broadcast %max3A : i32 to vector<16xi32>
    %max3A_364 = arith.maxsi %sub3A, %max3A_363 : vector<16xi32>
    %min3A = arith.constant 1 : i32
    %min3A_365 = vector.broadcast %min3A : i32 to vector<16xi32>
    %min3A_366 = arith.minsi %max3A_364, %min3A_365 : vector<16xi32>
    %get3A_367 = arith.constant 1 : i32
    %get3A_368 = arith.index_cast %get3A_367 : i32 to index
    %get3A_369 = arith.constant 0 : index
    %get3A_370 = tpu.vector_load %arg10[%get3A_368, %get3A_369] {strides = array<i32>} : memref<8x16xi32, #tpu.memory_space<vmem>>, vector<1x16xi32>,
    %get3A_371 = vector.shape_cast %get3A_370 : vector<1x16xi32> to vector<16xi32>
    %sub3A_372 = arith.subi %get3A_371, %add3A_358 : vector<16xi32>
    %max3A_373 = arith.constant 0 : i32
    %max3A_374 = vector.broadcast %max3A_373 : i32 to vector<16xi32>
    %max3A_375 = arith.maxsi %sub3A_372, %max3A_374 : vector<16xi32>
    %min3A_376 = arith.constant 1 : i32
    %min3A_377 = vector.broadcast %min3A_376 : i32 to vector<16xi32>
    %min3A_378 = arith.minsi %max3A_375, %min3A_377 : vector<16xi32>
    %add3A_379 = arith.addi %min3A_366, %min3A_378 : vector<16xi32>
    %get3A_380 = arith.constant 2 : i32
    %get3A_381 = arith.index_cast %get3A_380 : i32 to index
    %get3A_382 = arith.constant 0 : index
    %get3A_383 = tpu.vector_load %arg10[%get3A_381, %get3A_382] {strides = array<i32>} : memref<8x16xi32, #tpu.memory_space<vmem>>, vector<1x16xi32>,
    %get3A_384 = vector.shape_cast %get3A_383 : vector<1x16xi32> to vector<16xi32>
    %sub3A_385 = arith.subi %get3A_384, %add3A_358 : vector<16xi32>
    %max3A_386 = arith.constant 0 : i32
    %max3A_387 = vector.broadcast %max3A_386 : i32 to vector<16xi32>
    %max3A_388 = arith.maxsi %sub3A_385, %max3A_387 : vector<16xi32>
    %min3A_389 = arith.constant 1 : i32
    %min3A_390 = vector.broadcast %min3A_389 : i32 to vector<16xi32>
    %min3A_391 = arith.minsi %max3A_388, %min3A_390 : vector<16xi32>
    %add3A_392 = arith.addi %add3A_379, %min3A_391 : vector<16xi32>
    %get3A_393 = arith.constant 3 : i32
    %get3A_394 = arith.index_cast %get3A_393 : i32 to index
    %get3A_395 = arith.constant 0 : index
    %get3A_396 = tpu.vector_load %arg10[%get3A_394, %get3A_395] {strides = array<i32>} : memref<8x16xi32, #tpu.memory_space<vmem>>, vector<1x16xi32>,
    %get3A_397 = vector.shape_cast %get3A_396 : vector<1x16xi32> to vector<16xi32>
    %sub3A_398 = arith.subi %get3A_397, %add3A_358 : vector<16xi32>
    %max3A_399 = arith.constant 0 : i32
    %max3A_400 = vector.broadcast %max3A_399 : i32 to vector<16xi32>
    %max3A_401 = arith.maxsi %sub3A_398, %max3A_400 : vector<16xi32>
    %min3A_402 = arith.constant 1 : i32
    %min3A_403 = vector.broadcast %min3A_402 : i32 to vector<16xi32>
    %min3A_404 = arith.minsi %max3A_401, %min3A_403 : vector<16xi32>
    %add3A_405 = arith.addi %add3A_392, %min3A_404 : vector<16xi32>
    %get3A_406 = arith.constant 4 : i32
    %get3A_407 = arith.index_cast %get3A_406 : i32 to index
    %get3A_408 = arith.constant 0 : index
    %get3A_409 = tpu.vector_load %arg10[%get3A_407, %get3A_408] {strides = array<i32>} : memref<8x16xi32, #tpu.memory_space<vmem>>, vector<1x16xi32>,
    %get3A_410 = vector.shape_cast %get3A_409 : vector<1x16xi32> to vector<16xi32>
    %sub3A_411 = arith.subi %get3A_410, %add3A_358 : vector<16xi32>
    %max3A_412 = arith.constant 0 : i32
    %max3A_413 = vector.broadcast %max3A_412 : i32 to vector<16xi32>
    %max3A_414 = arith.maxsi %sub3A_411, %max3A_413 : vector<16xi32>
    %min3A_415 = arith.constant 1 : i32
    %min3A_416 = vector.broadcast %min3A_415 : i32 to vector<16xi32>
    %min3A_417 = arith.minsi %max3A_414, %min3A_416 : vector<16xi32>
    %add3A_418 = arith.addi %add3A_405, %min3A_417 : vector<16xi32>
    %get3A_419 = arith.constant 5 : i32
    %get3A_420 = arith.index_cast %get3A_419 : i32 to index
    %get3A_421 = arith.constant 0 : index
    %get3A_422 = tpu.vector_load %arg10[%get3A_420, %get3A_421] {strides = array<i32>} : memref<8x16xi32, #tpu.memory_space<vmem>>, vector<1x16xi32>,
    %get3A_423 = vector.shape_cast %get3A_422 : vector<1x16xi32> to vector<16xi32>
    %sub3A_424 = arith.subi %get3A_423, %add3A_358 : vector<16xi32>
    %max3A_425 = arith.constant 0 : i32
    %max3A_426 = vector.broadcast %max3A_425 : i32 to vector<16xi32>
    %max3A_427 = arith.maxsi %sub3A_424, %max3A_426 : vector<16xi32>
    %min3A_428 = arith.constant 1 : i32
    %min3A_429 = vector.broadcast %min3A_428 : i32 to vector<16xi32>
    %min3A_430 = arith.minsi %max3A_427, %min3A_429 : vector<16xi32>
    %add3A_431 = arith.addi %add3A_418, %min3A_430 : vector<16xi32>
    %get3A_432 = arith.constant 6 : i32
    %get3A_433 = arith.index_cast %get3A_432 : i32 to index
    %get3A_434 = arith.constant 0 : index
    %get3A_435 = tpu.vector_load %arg10[%get3A_433, %get3A_434] {strides = array<i32>} : memref<8x16xi32, #tpu.memory_space<vmem>>, vector<1x16xi32>,
    %get3A_436 = vector.shape_cast %get3A_435 : vector<1x16xi32> to vector<16xi32>
    %sub3A_437 = arith.subi %get3A_436, %add3A_358 : vector<16xi32>
    %max3A_438 = arith.constant 0 : i32
    %max3A_439 = vector.broadcast %max3A_438 : i32 to vector<16xi32>
    %max3A_440 = arith.maxsi %sub3A_437, %max3A_439 : vector<16xi32>
    %min3A_441 = arith.constant 1 : i32
    %min3A_442 = vector.broadcast %min3A_441 : i32 to vector<16xi32>
    %min3A_443 = arith.minsi %max3A_440, %min3A_442 : vector<16xi32>
    %add3A_444 = arith.addi %add3A_431, %min3A_443 : vector<16xi32>
    %get3A_445 = arith.constant 7 : i32
    %get3A_446 = arith.index_cast %get3A_445 : i32 to index
    %get3A_447 = arith.constant 0 : index
    %get3A_448 = tpu.vector_load %arg10[%get3A_446, %get3A_447] {strides = array<i32>} : memref<8x16xi32, #tpu.memory_space<vmem>>, vector<1x16xi32>,
    %get3A_449 = vector.shape_cast %get3A_448 : vector<1x16xi32> to vector<16xi32>
    %sub3A_450 = arith.subi %get3A_449, %add3A_358 : vector<16xi32>
    %max3A_451 = arith.constant 0 : i32
    %max3A_452 = vector.broadcast %max3A_451 : i32 to vector<16xi32>
    %max3A_453 = arith.maxsi %sub3A_450, %max3A_452 : vector<16xi32>
    %min3A_454 = arith.constant 1 : i32
    %min3A_455 = vector.broadcast %min3A_454 : i32 to vector<16xi32>
    %min3A_456 = arith.minsi %max3A_453, %min3A_455 : vector<16xi32>
    %add3A_457 = arith.addi %add3A_444, %min3A_456 : vector<16xi32>
    %swap3A = arith.constant 0 : index
    %swap3A_458 = tpu.vector_load %arg11[%swap3A] {strides = array<i32>} : memref<64xi32, #tpu.memory_space<vmem>>, vector<16xi32>,
    %swap3A_459 = vector.shape_cast %swap3A_458 : vector<16xi32> to vector<16xi32>
    %swap3A_460 = vector.shape_cast %add3A_457 : vector<16xi32> to vector<16xi32>
    tpu.vector_store %arg11[%swap3A], %swap3A_460 {strides = array<i32>} : memref<64xi32, #tpu.memory_space<vmem>>, vector<16xi32>,
    %add3A_461 = arith.addi %iota3A, %broadcast_in_dim3A : vector<16xi32>
    %add3A_462 = arith.constant 16 : i32
    %add3A_463 = vector.broadcast %add3A_462 : i32 to vector<16xi32>
    %add3A_464 = arith.addi %add3A_461, %add3A_463 : vector<16xi32>
    %get3A_465 = arith.constant 0 : i32
    %get3A_466 = arith.index_cast %get3A_465 : i32 to index
    %get3A_467 = arith.constant 0 : index
    %get3A_468 = tpu.vector_load %arg10[%get3A_466, %get3A_467] {strides = array<i32>} : memref<8x16xi32, #tpu.memory_space<vmem>>, vector<1x16xi32>,
    %get3A_469 = vector.shape_cast %get3A_468 : vector<1x16xi32> to vector<16xi32>
    %sub3A_470 = arith.subi %get3A_469, %add3A_464 : vector<16xi32>
    %max3A_471 = arith.constant 0 : i32
    %max3A_472 = vector.broadcast %max3A_471 : i32 to vector<16xi32>
    %max3A_473 = arith.maxsi %sub3A_470, %max3A_472 : vector<16xi32>
    %min3A_474 = arith.constant 1 : i32
    %min3A_475 = vector.broadcast %min3A_474 : i32 to vector<16xi32>
    %min3A_476 = arith.minsi %max3A_473, %min3A_475 : vector<16xi32>
    %get3A_477 = arith.constant 1 : i32
    %get3A_478 = arith.index_cast %get3A_477 : i32 to index
    %get3A_479 = arith.constant 0 : index
    %get3A_480 = tpu.vector_load %arg10[%get3A_478, %get3A_479] {strides = array<i32>} : memref<8x16xi32, #tpu.memory_space<vmem>>, vector<1x16xi32>,
    %get3A_481 = vector.shape_cast %get3A_480 : vector<1x16xi32> to vector<16xi32>
    %sub3A_482 = arith.subi %get3A_481, %add3A_464 : vector<16xi32>
    %max3A_483 = arith.constant 0 : i32
    %max3A_484 = vector.broadcast %max3A_483 : i32 to vector<16xi32>
    %max3A_485 = arith.maxsi %sub3A_482, %max3A_484 : vector<16xi32>
    %min3A_486 = arith.constant 1 : i32
    %min3A_487 = vector.broadcast %min3A_486 : i32 to vector<16xi32>
    %min3A_488 = arith.minsi %max3A_485, %min3A_487 : vector<16xi32>
    %add3A_489 = arith.addi %min3A_476, %min3A_488 : vector<16xi32>
    %get3A_490 = arith.constant 2 : i32
    %get3A_491 = arith.index_cast %get3A_490 : i32 to index
    %get3A_492 = arith.constant 0 : index
    %get3A_493 = tpu.vector_load %arg10[%get3A_491, %get3A_492] {strides = array<i32>} : memref<8x16xi32, #tpu.memory_space<vmem>>, vector<1x16xi32>,
    %get3A_494 = vector.shape_cast %get3A_493 : vector<1x16xi32> to vector<16xi32>
    %sub3A_495 = arith.subi %get3A_494, %add3A_464 : vector<16xi32>
    %max3A_496 = arith.constant 0 : i32
    %max3A_497 = vector.broadcast %max3A_496 : i32 to vector<16xi32>
    %max3A_498 = arith.maxsi %sub3A_495, %max3A_497 : vector<16xi32>
    %min3A_499 = arith.constant 1 : i32
    %min3A_500 = vector.broadcast %min3A_499 : i32 to vector<16xi32>
    %min3A_501 = arith.minsi %max3A_498, %min3A_500 : vector<16xi32>
    %add3A_502 = arith.addi %add3A_489, %min3A_501 : vector<16xi32>
    %get3A_503 = arith.constant 3 : i32
    %get3A_504 = arith.index_cast %get3A_503 : i32 to index
    %get3A_505 = arith.constant 0 : index
    %get3A_506 = tpu.vector_load %arg10[%get3A_504, %get3A_505] {strides = array<i32>} : memref<8x16xi32, #tpu.memory_space<vmem>>, vector<1x16xi32>,
    %get3A_507 = vector.shape_cast %get3A_506 : vector<1x16xi32> to vector<16xi32>
    %sub3A_508 = arith.subi %get3A_507, %add3A_464 : vector<16xi32>
    %max3A_509 = arith.constant 0 : i32
    %max3A_510 = vector.broadcast %max3A_509 : i32 to vector<16xi32>
    %max3A_511 = arith.maxsi %sub3A_508, %max3A_510 : vector<16xi32>
    %min3A_512 = arith.constant 1 : i32
    %min3A_513 = vector.broadcast %min3A_512 : i32 to vector<16xi32>
    %min3A_514 = arith.minsi %max3A_511, %min3A_513 : vector<16xi32>
    %add3A_515 = arith.addi %add3A_502, %min3A_514 : vector<16xi32>
    %get3A_516 = arith.constant 4 : i32
    %get3A_517 = arith.index_cast %get3A_516 : i32 to index
    %get3A_518 = arith.constant 0 : index
    %get3A_519 = tpu.vector_load %arg10[%get3A_517, %get3A_518] {strides = array<i32>} : memref<8x16xi32, #tpu.memory_space<vmem>>, vector<1x16xi32>,
    %get3A_520 = vector.shape_cast %get3A_519 : vector<1x16xi32> to vector<16xi32>
    %sub3A_521 = arith.subi %get3A_520, %add3A_464 : vector<16xi32>
    %max3A_522 = arith.constant 0 : i32
    %max3A_523 = vector.broadcast %max3A_522 : i32 to vector<16xi32>
    %max3A_524 = arith.maxsi %sub3A_521, %max3A_523 : vector<16xi32>
    %min3A_525 = arith.constant 1 : i32
    %min3A_526 = vector.broadcast %min3A_525 : i32 to vector<16xi32>
    %min3A_527 = arith.minsi %max3A_524, %min3A_526 : vector<16xi32>
    %add3A_528 = arith.addi %add3A_515, %min3A_527 : vector<16xi32>
    %get3A_529 = arith.constant 5 : i32
    %get3A_530 = arith.index_cast %get3A_529 : i32 to index
    %get3A_531 = arith.constant 0 : index
    %get3A_532 = tpu.vector_load %arg10[%get3A_530, %get3A_531] {strides = array<i32>} : memref<8x16xi32, #tpu.memory_space<vmem>>, vector<1x16xi32>,
    %get3A_533 = vector.shape_cast %get3A_532 : vector<1x16xi32> to vector<16xi32>
    %sub3A_534 = arith.subi %get3A_533, %add3A_464 : vector<16xi32>
    %max3A_535 = arith.constant 0 : i32
    %max3A_536 = vector.broadcast %max3A_535 : i32 to vector<16xi32>
    %max3A_537 = arith.maxsi %sub3A_534, %max3A_536 : vector<16xi32>
    %min3A_538 = arith.constant 1 : i32
    %min3A_539 = vector.broadcast %min3A_538 : i32 to vector<16xi32>
    %min3A_540 = arith.minsi %max3A_537, %min3A_539 : vector<16xi32>
    %add3A_541 = arith.addi %add3A_528, %min3A_540 : vector<16xi32>
    %get3A_542 = arith.constant 6 : i32
    %get3A_543 = arith.index_cast %get3A_542 : i32 to index
    %get3A_544 = arith.constant 0 : index
    %get3A_545 = tpu.vector_load %arg10[%get3A_543, %get3A_544] {strides = array<i32>} : memref<8x16xi32, #tpu.memory_space<vmem>>, vector<1x16xi32>,
    %get3A_546 = vector.shape_cast %get3A_545 : vector<1x16xi32> to vector<16xi32>
    %sub3A_547 = arith.subi %get3A_546, %add3A_464 : vector<16xi32>
    %max3A_548 = arith.constant 0 : i32
    %max3A_549 = vector.broadcast %max3A_548 : i32 to vector<16xi32>
    %max3A_550 = arith.maxsi %sub3A_547, %max3A_549 : vector<16xi32>
    %min3A_551 = arith.constant 1 : i32
    %min3A_552 = vector.broadcast %min3A_551 : i32 to vector<16xi32>
    %min3A_553 = arith.minsi %max3A_550, %min3A_552 : vector<16xi32>
    %add3A_554 = arith.addi %add3A_541, %min3A_553 : vector<16xi32>
    %get3A_555 = arith.constant 7 : i32
    %get3A_556 = arith.index_cast %get3A_555 : i32 to index
    %get3A_557 = arith.constant 0 : index
    %get3A_558 = tpu.vector_load %arg10[%get3A_556, %get3A_557] {strides = array<i32>} : memref<8x16xi32, #tpu.memory_space<vmem>>, vector<1x16xi32>,
    %get3A_559 = vector.shape_cast %get3A_558 : vector<1x16xi32> to vector<16xi32>
    %sub3A_560 = arith.subi %get3A_559, %add3A_464 : vector<16xi32>
    %max3A_561 = arith.constant 0 : i32
    %max3A_562 = vector.broadcast %max3A_561 : i32 to vector<16xi32>
    %max3A_563 = arith.maxsi %sub3A_560, %max3A_562 : vector<16xi32>
    %min3A_564 = arith.constant 1 : i32
    %min3A_565 = vector.broadcast %min3A_564 : i32 to vector<16xi32>
    %min3A_566 = arith.minsi %max3A_563, %min3A_565 : vector<16xi32>
    %add3A_567 = arith.addi %add3A_554, %min3A_566 : vector<16xi32>
    %swap3A_568 = arith.constant 16 : index
    %swap3A_569 = tpu.vector_load %arg11[%swap3A_568] {strides = array<i32>} : memref<64xi32, #tpu.memory_space<vmem>>, vector<16xi32>,
    %swap3A_570 = vector.shape_cast %swap3A_569 : vector<16xi32> to vector<16xi32>
    %swap3A_571 = vector.shape_cast %add3A_567 : vector<16xi32> to vector<16xi32>
    tpu.vector_store %arg11[%swap3A_568], %swap3A_571 {strides = array<i32>} : memref<64xi32, #tpu.memory_space<vmem>>, vector<16xi32>,
    %add3A_572 = arith.addi %iota3A, %broadcast_in_dim3A : vector<16xi32>
    %add3A_573 = arith.constant 32 : i32
    %add3A_574 = vector.broadcast %add3A_573 : i32 to vector<16xi32>
    %add3A_575 = arith.addi %add3A_572, %add3A_574 : vector<16xi32>
    %get3A_576 = arith.constant 0 : i32
    %get3A_577 = arith.index_cast %get3A_576 : i32 to index
    %get3A_578 = arith.constant 0 : index
    %get3A_579 = tpu.vector_load %arg10[%get3A_577, %get3A_578] {strides = array<i32>} : memref<8x16xi32, #tpu.memory_space<vmem>>, vector<1x16xi32>,
    %get3A_580 = vector.shape_cast %get3A_579 : vector<1x16xi32> to vector<16xi32>
    %sub3A_581 = arith.subi %get3A_580, %add3A_575 : vector<16xi32>
    %max3A_582 = arith.constant 0 : i32
    %max3A_583 = vector.broadcast %max3A_582 : i32 to vector<16xi32>
    %max3A_584 = arith.maxsi %sub3A_581, %max3A_583 : vector<16xi32>
    %min3A_585 = arith.constant 1 : i32
    %min3A_586 = vector.broadcast %min3A_585 : i32 to vector<16xi32>
    %min3A_587 = arith.minsi %max3A_584, %min3A_586 : vector<16xi32>
    %get3A_588 = arith.constant 1 : i32
    %get3A_589 = arith.index_cast %get3A_588 : i32 to index
    %get3A_590 = arith.constant 0 : index
    %get3A_591 = tpu.vector_load %arg10[%get3A_589, %get3A_590] {strides = array<i32>} : memref<8x16xi32, #tpu.memory_space<vmem>>, vector<1x16xi32>,
    %get3A_592 = vector.shape_cast %get3A_591 : vector<1x16xi32> to vector<16xi32>
    %sub3A_593 = arith.subi %get3A_592, %add3A_575 : vector<16xi32>
    %max3A_594 = arith.constant 0 : i32
    %max3A_595 = vector.broadcast %max3A_594 : i32 to vector<16xi32>
    %max3A_596 = arith.maxsi %sub3A_593, %max3A_595 : vector<16xi32>
    %min3A_597 = arith.constant 1 : i32
    %min3A_598 = vector.broadcast %min3A_597 : i32 to vector<16xi32>
    %min3A_599 = arith.minsi %max3A_596, %min3A_598 : vector<16xi32>
    %add3A_600 = arith.addi %min3A_587, %min3A_599 : vector<16xi32>
    %get3A_601 = arith.constant 2 : i32
    %get3A_602 = arith.index_cast %get3A_601 : i32 to index
    %get3A_603 = arith.constant 0 : index
    %get3A_604 = tpu.vector_load %arg10[%get3A_602, %get3A_603] {strides = array<i32>} : memref<8x16xi32, #tpu.memory_space<vmem>>, vector<1x16xi32>,
    %get3A_605 = vector.shape_cast %get3A_604 : vector<1x16xi32> to vector<16xi32>
    %sub3A_606 = arith.subi %get3A_605, %add3A_575 : vector<16xi32>
    %max3A_607 = arith.constant 0 : i32
    %max3A_608 = vector.broadcast %max3A_607 : i32 to vector<16xi32>
    %max3A_609 = arith.maxsi %sub3A_606, %max3A_608 : vector<16xi32>
    %min3A_610 = arith.constant 1 : i32
    %min3A_611 = vector.broadcast %min3A_610 : i32 to vector<16xi32>
    %min3A_612 = arith.minsi %max3A_609, %min3A_611 : vector<16xi32>
    %add3A_613 = arith.addi %add3A_600, %min3A_612 : vector<16xi32>
    %get3A_614 = arith.constant 3 : i32
    %get3A_615 = arith.index_cast %get3A_614 : i32 to index
    %get3A_616 = arith.constant 0 : index
    %get3A_617 = tpu.vector_load %arg10[%get3A_615, %get3A_616] {strides = array<i32>} : memref<8x16xi32, #tpu.memory_space<vmem>>, vector<1x16xi32>,
    %get3A_618 = vector.shape_cast %get3A_617 : vector<1x16xi32> to vector<16xi32>
    %sub3A_619 = arith.subi %get3A_618, %add3A_575 : vector<16xi32>
    %max3A_620 = arith.constant 0 : i32
    %max3A_621 = vector.broadcast %max3A_620 : i32 to vector<16xi32>
    %max3A_622 = arith.maxsi %sub3A_619, %max3A_621 : vector<16xi32>
    %min3A_623 = arith.constant 1 : i32
    %min3A_624 = vector.broadcast %min3A_623 : i32 to vector<16xi32>
    %min3A_625 = arith.minsi %max3A_622, %min3A_624 : vector<16xi32>
    %add3A_626 = arith.addi %add3A_613, %min3A_625 : vector<16xi32>
    %get3A_627 = arith.constant 4 : i32
    %get3A_628 = arith.index_cast %get3A_627 : i32 to index
    %get3A_629 = arith.constant 0 : index
    %get3A_630 = tpu.vector_load %arg10[%get3A_628, %get3A_629] {strides = array<i32>} : memref<8x16xi32, #tpu.memory_space<vmem>>, vector<1x16xi32>,
    %get3A_631 = vector.shape_cast %get3A_630 : vector<1x16xi32> to vector<16xi32>
    %sub3A_632 = arith.subi %get3A_631, %add3A_575 : vector<16xi32>
    %max3A_633 = arith.constant 0 : i32
    %max3A_634 = vector.broadcast %max3A_633 : i32 to vector<16xi32>
    %max3A_635 = arith.maxsi %sub3A_632, %max3A_634 : vector<16xi32>
    %min3A_636 = arith.constant 1 : i32
    %min3A_637 = vector.broadcast %min3A_636 : i32 to vector<16xi32>
    %min3A_638 = arith.minsi %max3A_635, %min3A_637 : vector<16xi32>
    %add3A_639 = arith.addi %add3A_626, %min3A_638 : vector<16xi32>
    %get3A_640 = arith.constant 5 : i32
    %get3A_641 = arith.index_cast %get3A_640 : i32 to index
    %get3A_642 = arith.constant 0 : index
    %get3A_643 = tpu.vector_load %arg10[%get3A_641, %get3A_642] {strides = array<i32>} : memref<8x16xi32, #tpu.memory_space<vmem>>, vector<1x16xi32>,
    %get3A_644 = vector.shape_cast %get3A_643 : vector<1x16xi32> to vector<16xi32>
    %sub3A_645 = arith.subi %get3A_644, %add3A_575 : vector<16xi32>
    %max3A_646 = arith.constant 0 : i32
    %max3A_647 = vector.broadcast %max3A_646 : i32 to vector<16xi32>
    %max3A_648 = arith.maxsi %sub3A_645, %max3A_647 : vector<16xi32>
    %min3A_649 = arith.constant 1 : i32
    %min3A_650 = vector.broadcast %min3A_649 : i32 to vector<16xi32>
    %min3A_651 = arith.minsi %max3A_648, %min3A_650 : vector<16xi32>
    %add3A_652 = arith.addi %add3A_639, %min3A_651 : vector<16xi32>
    %get3A_653 = arith.constant 6 : i32
    %get3A_654 = arith.index_cast %get3A_653 : i32 to index
    %get3A_655 = arith.constant 0 : index
    %get3A_656 = tpu.vector_load %arg10[%get3A_654, %get3A_655] {strides = array<i32>} : memref<8x16xi32, #tpu.memory_space<vmem>>, vector<1x16xi32>,
    %get3A_657 = vector.shape_cast %get3A_656 : vector<1x16xi32> to vector<16xi32>
    %sub3A_658 = arith.subi %get3A_657, %add3A_575 : vector<16xi32>
    %max3A_659 = arith.constant 0 : i32
    %max3A_660 = vector.broadcast %max3A_659 : i32 to vector<16xi32>
    %max3A_661 = arith.maxsi %sub3A_658, %max3A_660 : vector<16xi32>
    %min3A_662 = arith.constant 1 : i32
    %min3A_663 = vector.broadcast %min3A_662 : i32 to vector<16xi32>
    %min3A_664 = arith.minsi %max3A_661, %min3A_663 : vector<16xi32>
    %add3A_665 = arith.addi %add3A_652, %min3A_664 : vector<16xi32>
    %get3A_666 = arith.constant 7 : i32
    %get3A_667 = arith.index_cast %get3A_666 : i32 to index
    %get3A_668 = arith.constant 0 : index
    %get3A_669 = tpu.vector_load %arg10[%get3A_667, %get3A_668] {strides = array<i32>} : memref<8x16xi32, #tpu.memory_space<vmem>>, vector<1x16xi32>,
    %get3A_670 = vector.shape_cast %get3A_669 : vector<1x16xi32> to vector<16xi32>
    %sub3A_671 = arith.subi %get3A_670, %add3A_575 : vector<16xi32>
    %max3A_672 = arith.constant 0 : i32
    %max3A_673 = vector.broadcast %max3A_672 : i32 to vector<16xi32>
    %max3A_674 = arith.maxsi %sub3A_671, %max3A_673 : vector<16xi32>
    %min3A_675 = arith.constant 1 : i32
    %min3A_676 = vector.broadcast %min3A_675 : i32 to vector<16xi32>
    %min3A_677 = arith.minsi %max3A_674, %min3A_676 : vector<16xi32>
    %add3A_678 = arith.addi %add3A_665, %min3A_677 : vector<16xi32>
    %swap3A_679 = arith.constant 32 : index
    %swap3A_680 = tpu.vector_load %arg11[%swap3A_679] {strides = array<i32>} : memref<64xi32, #tpu.memory_space<vmem>>, vector<16xi32>,
    %swap3A_681 = vector.shape_cast %swap3A_680 : vector<16xi32> to vector<16xi32>
    %swap3A_682 = vector.shape_cast %add3A_678 : vector<16xi32> to vector<16xi32>
    tpu.vector_store %arg11[%swap3A_679], %swap3A_682 {strides = array<i32>} : memref<64xi32, #tpu.memory_space<vmem>>, vector<16xi32>,
    %add3A_683 = arith.addi %iota3A, %broadcast_in_dim3A : vector<16xi32>
    %add3A_684 = arith.constant 48 : i32
    %add3A_685 = vector.broadcast %add3A_684 : i32 to vector<16xi32>
    %add3A_686 = arith.addi %add3A_683, %add3A_685 : vector<16xi32>
    %get3A_687 = arith.constant 0 : i32
    %get3A_688 = arith.index_cast %get3A_687 : i32 to index
    %get3A_689 = arith.constant 0 : index
    %get3A_690 = tpu.vector_load %arg10[%get3A_688, %get3A_689] {strides = array<i32>} : memref<8x16xi32, #tpu.memory_space<vmem>>, vector<1x16xi32>,
    %get3A_691 = vector.shape_cast %get3A_690 : vector<1x16xi32> to vector<16xi32>
    %sub3A_692 = arith.subi %get3A_691, %add3A_686 : vector<16xi32>
    %max3A_693 = arith.constant 0 : i32
    %max3A_694 = vector.broadcast %max3A_693 : i32 to vector<16xi32>
    %max3A_695 = arith.maxsi %sub3A_692, %max3A_694 : vector<16xi32>
    %min3A_696 = arith.constant 1 : i32
    %min3A_697 = vector.broadcast %min3A_696 : i32 to vector<16xi32>
    %min3A_698 = arith.minsi %max3A_695, %min3A_697 : vector<16xi32>
    %get3A_699 = arith.constant 1 : i32
    %get3A_700 = arith.index_cast %get3A_699 : i32 to index
    %get3A_701 = arith.constant 0 : index
    %get3A_702 = tpu.vector_load %arg10[%get3A_700, %get3A_701] {strides = array<i32>} : memref<8x16xi32, #tpu.memory_space<vmem>>, vector<1x16xi32>,
    %get3A_703 = vector.shape_cast %get3A_702 : vector<1x16xi32> to vector<16xi32>
    %sub3A_704 = arith.subi %get3A_703, %add3A_686 : vector<16xi32>
    %max3A_705 = arith.constant 0 : i32
    %max3A_706 = vector.broadcast %max3A_705 : i32 to vector<16xi32>
    %max3A_707 = arith.maxsi %sub3A_704, %max3A_706 : vector<16xi32>
    %min3A_708 = arith.constant 1 : i32
    %min3A_709 = vector.broadcast %min3A_708 : i32 to vector<16xi32>
    %min3A_710 = arith.minsi %max3A_707, %min3A_709 : vector<16xi32>
    %add3A_711 = arith.addi %min3A_698, %min3A_710 : vector<16xi32>
    %get3A_712 = arith.constant 2 : i32
    %get3A_713 = arith.index_cast %get3A_712 : i32 to index
    %get3A_714 = arith.constant 0 : index
    %get3A_715 = tpu.vector_load %arg10[%get3A_713, %get3A_714] {strides = array<i32>} : memref<8x16xi32, #tpu.memory_space<vmem>>, vector<1x16xi32>,
    %get3A_716 = vector.shape_cast %get3A_715 : vector<1x16xi32> to vector<16xi32>
    %sub3A_717 = arith.subi %get3A_716, %add3A_686 : vector<16xi32>
    %max3A_718 = arith.constant 0 : i32
    %max3A_719 = vector.broadcast %max3A_718 : i32 to vector<16xi32>
    %max3A_720 = arith.maxsi %sub3A_717, %max3A_719 : vector<16xi32>
    %min3A_721 = arith.constant 1 : i32
    %min3A_722 = vector.broadcast %min3A_721 : i32 to vector<16xi32>
    %min3A_723 = arith.minsi %max3A_720, %min3A_722 : vector<16xi32>
    %add3A_724 = arith.addi %add3A_711, %min3A_723 : vector<16xi32>
    %get3A_725 = arith.constant 3 : i32
    %get3A_726 = arith.index_cast %get3A_725 : i32 to index
    %get3A_727 = arith.constant 0 : index
    %get3A_728 = tpu.vector_load %arg10[%get3A_726, %get3A_727] {strides = array<i32>} : memref<8x16xi32, #tpu.memory_space<vmem>>, vector<1x16xi32>,
    %get3A_729 = vector.shape_cast %get3A_728 : vector<1x16xi32> to vector<16xi32>
    %sub3A_730 = arith.subi %get3A_729, %add3A_686 : vector<16xi32>
    %max3A_731 = arith.constant 0 : i32
    %max3A_732 = vector.broadcast %max3A_731 : i32 to vector<16xi32>
    %max3A_733 = arith.maxsi %sub3A_730, %max3A_732 : vector<16xi32>
    %min3A_734 = arith.constant 1 : i32
    %min3A_735 = vector.broadcast %min3A_734 : i32 to vector<16xi32>
    %min3A_736 = arith.minsi %max3A_733, %min3A_735 : vector<16xi32>
    %add3A_737 = arith.addi %add3A_724, %min3A_736 : vector<16xi32>
    %get3A_738 = arith.constant 4 : i32
    %get3A_739 = arith.index_cast %get3A_738 : i32 to index
    %get3A_740 = arith.constant 0 : index
    %get3A_741 = tpu.vector_load %arg10[%get3A_739, %get3A_740] {strides = array<i32>} : memref<8x16xi32, #tpu.memory_space<vmem>>, vector<1x16xi32>,
    %get3A_742 = vector.shape_cast %get3A_741 : vector<1x16xi32> to vector<16xi32>
    %sub3A_743 = arith.subi %get3A_742, %add3A_686 : vector<16xi32>
    %max3A_744 = arith.constant 0 : i32
    %max3A_745 = vector.broadcast %max3A_744 : i32 to vector<16xi32>
    %max3A_746 = arith.maxsi %sub3A_743, %max3A_745 : vector<16xi32>
    %min3A_747 = arith.constant 1 : i32
    %min3A_748 = vector.broadcast %min3A_747 : i32 to vector<16xi32>
    %min3A_749 = arith.minsi %max3A_746, %min3A_748 : vector<16xi32>
    %add3A_750 = arith.addi %add3A_737, %min3A_749 : vector<16xi32>
    %get3A_751 = arith.constant 5 : i32
    %get3A_752 = arith.index_cast %get3A_751 : i32 to index
    %get3A_753 = arith.constant 0 : index
    %get3A_754 = tpu.vector_load %arg10[%get3A_752, %get3A_753] {strides = array<i32>} : memref<8x16xi32, #tpu.memory_space<vmem>>, vector<1x16xi32>,
    %get3A_755 = vector.shape_cast %get3A_754 : vector<1x16xi32> to vector<16xi32>
    %sub3A_756 = arith.subi %get3A_755, %add3A_686 : vector<16xi32>
    %max3A_757 = arith.constant 0 : i32
    %max3A_758 = vector.broadcast %max3A_757 : i32 to vector<16xi32>
    %max3A_759 = arith.maxsi %sub3A_756, %max3A_758 : vector<16xi32>
    %min3A_760 = arith.constant 1 : i32
    %min3A_761 = vector.broadcast %min3A_760 : i32 to vector<16xi32>
    %min3A_762 = arith.minsi %max3A_759, %min3A_761 : vector<16xi32>
    %add3A_763 = arith.addi %add3A_750, %min3A_762 : vector<16xi32>
    %get3A_764 = arith.constant 6 : i32
    %get3A_765 = arith.index_cast %get3A_764 : i32 to index
    %get3A_766 = arith.constant 0 : index
    %get3A_767 = tpu.vector_load %arg10[%get3A_765, %get3A_766] {strides = array<i32>} : memref<8x16xi32, #tpu.memory_space<vmem>>, vector<1x16xi32>,
    %get3A_768 = vector.shape_cast %get3A_767 : vector<1x16xi32> to vector<16xi32>
    %sub3A_769 = arith.subi %get3A_768, %add3A_686 : vector<16xi32>
    %max3A_770 = arith.constant 0 : i32
    %max3A_771 = vector.broadcast %max3A_770 : i32 to vector<16xi32>
    %max3A_772 = arith.maxsi %sub3A_769, %max3A_771 : vector<16xi32>
    %min3A_773 = arith.constant 1 : i32
    %min3A_774 = vector.broadcast %min3A_773 : i32 to vector<16xi32>
    %min3A_775 = arith.minsi %max3A_772, %min3A_774 : vector<16xi32>
    %add3A_776 = arith.addi %add3A_763, %min3A_775 : vector<16xi32>
    %get3A_777 = arith.constant 7 : i32
    %get3A_778 = arith.index_cast %get3A_777 : i32 to index
    %get3A_779 = arith.constant 0 : index
    %get3A_780 = tpu.vector_load %arg10[%get3A_778, %get3A_779] {strides = array<i32>} : memref<8x16xi32, #tpu.memory_space<vmem>>, vector<1x16xi32>,
    %get3A_781 = vector.shape_cast %get3A_780 : vector<1x16xi32> to vector<16xi32>
    %sub3A_782 = arith.subi %get3A_781, %add3A_686 : vector<16xi32>
    %max3A_783 = arith.constant 0 : i32
    %max3A_784 = vector.broadcast %max3A_783 : i32 to vector<16xi32>
    %max3A_785 = arith.maxsi %sub3A_782, %max3A_784 : vector<16xi32>
    %min3A_786 = arith.constant 1 : i32
    %min3A_787 = vector.broadcast %min3A_786 : i32 to vector<16xi32>
    %min3A_788 = arith.minsi %max3A_785, %min3A_787 : vector<16xi32>
    %add3A_789 = arith.addi %add3A_776, %min3A_788 : vector<16xi32>
    %swap3A_790 = arith.constant 48 : index
    %swap3A_791 = tpu.vector_load %arg11[%swap3A_790] {strides = array<i32>} : memref<64xi32, #tpu.memory_space<vmem>>, vector<16xi32>,
    %swap3A_792 = vector.shape_cast %swap3A_791 : vector<16xi32> to vector<16xi32>
    %swap3A_793 = vector.shape_cast %add3A_789 : vector<16xi32> to vector<16xi32>
    tpu.vector_store %arg11[%swap3A_790], %swap3A_793 {strides = array<i32>} : memref<64xi32, #tpu.memory_space<vmem>>, vector<16xi32>,
    %dma_start3A_794 = tpu.memref_slice %arg5[%mul3A_354] : memref<2048xi32, #tpu.memory_space<hbm>> -> memref<64xi32, #tpu.memory_space<hbm>>
    %dma_start3A_795 = tpu.memref_slice %arg5[%mul3A_354] : memref<2048xi32, #tpu.memory_space<hbm>> -> memref<64xi32, #tpu.memory_space<hbm>>
    tpu.enqueue_dma source(%arg11 : memref<64xi32, #tpu.memory_space<vmem>>) target(%dma_start3A_795 : memref<64xi32, #tpu.memory_space<hbm>>) target_semaphore(%arg21 : memref<!tpu.dma_semaphore, #tpu.memory_space<semaphore_mem>>)
    %add3A_796 = arith.constant 96 : i32
    %add3A_797 = arith.addi %mul3A_2, %add3A_796 : i32
    %dma_wait3A_798 = arith.constant 0 : i32
    %dma_wait3A_799 = tpu.memref_slice %arg4[%add3A_797, %dma_wait3A_798] : memref<9216x1024xf32, #tpu.memory_space<hbm>> -> memref<24x1024xf32, #tpu.memory_space<hbm>>
    %dma_wait3A_800 = arith.constant 0 : i32
    %dma_wait3A_801 = tpu.memref_slice %arg4[%add3A_797, %dma_wait3A_800] : memref<9216x1024xf32, #tpu.memory_space<hbm>> -> memref<24x1024xf32, #tpu.memory_space<hbm>>
    tpu.wait_dma2 semaphore(%arg14 : memref<!tpu.dma_semaphore, #tpu.memory_space<semaphore_mem>>) src(%arg6 : memref<24x1024xf32, #tpu.memory_space<vmem>>) dst(%dma_wait3A_801 : memref<24x1024xf32, #tpu.memory_space<hbm>>)
    %add3A_802 = arith.constant 120 : i32
    %add3A_803 = arith.addi %mul3A_2, %add3A_802 : i32
    %dma_wait3A_804 = arith.constant 0 : i32
    %dma_wait3A_805 = tpu.memref_slice %arg4[%add3A_803, %dma_wait3A_804] : memref<9216x1024xf32, #tpu.memory_space<hbm>> -> memref<24x1024xf32, #tpu.memory_space<hbm>>
    %dma_wait3A_806 = arith.constant 0 : i32
    %dma_wait3A_807 = tpu.memref_slice %arg4[%add3A_803, %dma_wait3A_806] : memref<9216x1024xf32, #tpu.memory_space<hbm>> -> memref<24x1024xf32, #tpu.memory_space<hbm>>
    tpu.wait_dma2 semaphore(%arg15 : memref<!tpu.dma_semaphore, #tpu.memory_space<semaphore_mem>>) src(%arg7 : memref<24x1024xf32, #tpu.memory_space<vmem>>) dst(%dma_wait3A_807 : memref<24x1024xf32, #tpu.memory_space<hbm>>)
    %add3A_808 = arith.constant 144 : i32
    %add3A_809 = arith.addi %mul3A_2, %add3A_808 : i32
    %add3A_810 = arith.constant 96 : i32
    %add3A_811 = arith.addi %add3A_809, %add3A_810 : i32
    %dma_wait3A_812 = arith.constant 0 : i32
    %dma_wait3A_813 = tpu.memref_slice %arg4[%add3A_811, %dma_wait3A_812] : memref<9216x1024xf32, #tpu.memory_space<hbm>> -> memref<24x1024xf32, #tpu.memory_space<hbm>>
    %dma_wait3A_814 = arith.constant 0 : i32
    %dma_wait3A_815 = arith.constant 0 : i32
    %dma_wait3A_816 = tpu.memref_slice %arg8[%arg1, %dma_wait3A_814, %dma_wait3A_815] : memref<16x24x1024xf32, #tpu.memory_space<vmem_shared>> -> memref<1x24x1024xf32, #tpu.memory_space<vmem_shared>>
    %dma_wait3A_817 = tpu.memref_squeeze %dma_wait3A_816 : memref<1x24x1024xf32, #tpu.memory_space<vmem_shared>> -> memref<24x1024xf32, #tpu.memory_space<vmem_shared>>
    tpu.wait_dma2 semaphore(%arg18 : memref<!tpu.dma_semaphore, #tpu.memory_space<semaphore_mem>>) src(%dma_wait3A_817 : memref<24x1024xf32, #tpu.memory_space<vmem_shared>>) dst(%dma_wait3A_813 : memref<24x1024xf32, #tpu.memory_space<hbm>>)
    %add3A_818 = arith.constant 144 : i32
    %add3A_819 = arith.addi %mul3A_2, %add3A_818 : i32
    %add3A_820 = arith.constant 120 : i32
    %add3A_821 = arith.addi %add3A_819, %add3A_820 : i32
    %dma_wait3A_822 = arith.constant 0 : i32
    %dma_wait3A_823 = tpu.memref_slice %arg4[%add3A_821, %dma_wait3A_822] : memref<9216x1024xf32, #tpu.memory_space<hbm>> -> memref<24x1024xf32, #tpu.memory_space<hbm>>
    %dma_wait3A_824 = arith.constant 0 : i32
    %dma_wait3A_825 = arith.constant 0 : i32
    %dma_wait3A_826 = tpu.memref_slice %arg9[%arg1, %dma_wait3A_824, %dma_wait3A_825] : memref<16x24x1024xf32, #tpu.memory_space<vmem_shared>> -> memref<1x24x1024xf32, #tpu.memory_space<vmem_shared>>
    %dma_wait3A_827 = tpu.memref_squeeze %dma_wait3A_826 : memref<1x24x1024xf32, #tpu.memory_space<vmem_shared>> -> memref<24x1024xf32, #tpu.memory_space<vmem_shared>>
    tpu.wait_dma2 semaphore(%arg19 : memref<!tpu.dma_semaphore, #tpu.memory_space<semaphore_mem>>) src(%dma_wait3A_827 : memref<24x1024xf32, #tpu.memory_space<vmem_shared>>) dst(%dma_wait3A_823 : memref<24x1024xf32, #tpu.memory_space<hbm>>)
    %dma_wait3A_828 = tpu.memref_slice %arg5[%mul3A_354] : memref<2048xi32, #tpu.memory_space<hbm>> -> memref<64xi32, #tpu.memory_space<hbm>>
    %dma_wait3A_829 = tpu.memref_slice %arg5[%mul3A_354] : memref<2048xi32, #tpu.memory_space<hbm>> -> memref<64xi32, #tpu.memory_space<hbm>>
    tpu.wait_dma2 semaphore(%arg21 : memref<!tpu.dma_semaphore, #tpu.memory_space<semaphore_mem>>) src(%arg11 : memref<64xi32, #tpu.memory_space<vmem>>) dst(%dma_wait3A_829 : memref<64xi32, #tpu.memory_space<hbm>>)
    return
  }
}

</mosaic_0001>

<sc_bundles>
// kernel: _sc_call.3.cloned.1.call-start
scs
__scs_entry_jumppad:
0x0: {  	(pc) =	sbr.rel $0x88, $3  }
0x1: {  	(tag) =	ssettag $0x0;
	lr =	simm.s32 $0x1  }
0x2: {  	[smem:$0x3F9F] =	sst lr;
	_ =	strace $0xD0000000  }
0x3: {  	_ = 	snop  }
0x4: {  	_ = 	snop  }
0x5: {  	_ = 	snop  }
0x6: {  	_ = 	snop  }
0x7: {  	_ = 	snop  }
__scs_overlays_trampoline_lowered:
0x8: {  	[smem:$0x3FAE] =	sst s0  }
0x9: {  	[smem:$0x3FAF] =	sst s1  }
0xa: {  	[smem:$0x3FB0] =	sst s2  }
0xb: {  	[smem:$0x3FB1] =	sst s3  }
0xc: {  	[smem:$0x3FB2] =	sst s4  }
0xd: {  	[smem:$0x3FB3] =	sst s5  }
0xe: {  	[smem:$0x3FB4] =	sst s6  }
0xf: {  	[smem:$0x3FB5] =	sst s7  }
0x10: {  	[smem:$0x3FB6] =	sst s8  }
0x11: {  	[smem:$0x3FB7] =	sst s9;
	s0 =	simm.s32 @!p0 $0x0  }
0x12: {  	s1 =	sld [smem:$0x3F9D];
	s0 =	simm.s32 @p0 $0x1  }
0x13: {  	[smem:$0x3FB8] =	sst s0;
	s0 =	simm.s32 @!p1 $0x0  }
0x14: {  	s2 =	sld [smem:$0x3F9C];
	s0 =	simm.s32 @p1 $0x1  }
0x15: {  	[smem:$0x3FB9] =	sst s0;
	s0 =	simm.s32 @!p2 $0x0  }
0x16: {  	s3 =	sld [smem:$0x3FDB];
	s0 =	simm.s32 @p2 $0x1  }
0x17: {  	s4 =	simm.s32 $0x1BF5;
	[smem:$0x3FBB] =	sst s0  }
0x18: {  	s0 =	sld [smem:$0x3F9E];
	_ =	swait.ge [sflag:s4], $0x0  }
0x19: {  	s7 =	sld [smem:$0x3F9F]  }
0x1a: {  	s8 =	sadd.s32 $0xFFFFE003, lr  }
0x1b: {  	s9 =	sadd.s32 $0xFFFFFEF7, lr;
	s5 =	simm.s32 $0xFFFFFFFF;
	p2 =	slt.u32 s8, $0xFFFFF086  }
0x1c: {  	p1 =	slt.u32 s9, $0xF7A;
	s5 =	simm.s32 @!p2 $0x0  }
0x1d: {  	s5 =	simm.s32 @p1 $0x1;
	p0 =	seq.s32 s7, s2  }
0x1e: {  	s7 =	smul.u32 @!p0 $0xF7A, s2;
	p2 =	seq.s32 @!p0 s5, $0x0  }
0x1f: {  	s9 =	smul.u32 $0xF7A, s1;
	s8 =	simm.s32 @!p0 $0x1BF5;
	p2 =	por !p2, p0  }
0x20: {  	[sflag:s8] =	ssyncset.s32 @!p0 $0xFFFFF086;
	s6 =	sadd.s32 @!p0 s3, s7;
	s7 =	simm.s32 @!p0 $0x108  }
0x21: {  	s3 =	sadd.s32 s3, s9;
	s6 =	sadd.s32 @!p0 $0x88, s6;
	s7 =	simm.s32 @p2 $0x1082  }
0x22: {  	[simem:s7], [sflag:s8] =	dma.local @!p0 [hbm:s6], $0xF7A  }
0x23: {  	s9 =	sor.u32 $0xD0000000, s2;
	s6 =	simm.s32 $0x108;
	_ =	swait.ge @!p0 [sflag:s8], $0x0  }
0x24: {  	s3 =	sadd.s32 $0x88, s3;
	s6 =	simm.s32 @!p1 $0x1082;
	[sflag:s4] =	ssyncset.s32 $0xFFFFF086  }
0x25: {  	[simem:s6], [sflag:s4] =	dma.local [hbm:s3], $0xF7A  }
0x26: {  	[smem:$0x3F9F] =	sst s1;
	(tag) =	ssettag s2;
	_ =	strace s9  }
0x27: {  	s1 =	sld [smem:$0x3FAF]  }
0x28: {  	s2 =	sld [smem:$0x3FB0]  }
0x29: {  	s4 =	sld [smem:$0x3FB2]  }
0x2a: {  	p0 =	seq.s32 s5, $0x0;
	s5 =	sld [smem:$0x3FB3]  }
0x2b: {  	s6 =	sld [smem:$0x3FB4]  }
0x2c: {  	s7 =	sld [smem:$0x3FB5]  }
0x2d: {  	s3 =	simm.s32 $0x108;
	s8 =	sld [smem:$0x3FB6]  }
0x2e: {  	s3 =	simm.s32 @!p0 $0x1082;
	s9 =	sld [smem:$0x3FB7]  }
0x2f: {  	lr =	sadd.s32 s0, s3;
	s0 =	sld [smem:$0x3FAE]  }
0x30: {  	s3 =	sld [smem:$0x3FB1]  }
0x31: {  	[smem:$0x3FBA] =	sst s10  }
0x32: {  	s10 =	sld [smem:$0x3FB8];
	_ =	sdelay $0x3  }
0x33: {  	p0 =	seq.s32 s10, $0x1;
	s10 =	sld [smem:$0x3FBA];
	_ =	sdelay $0x3  }
0x34: {  	[smem:$0x3FBA] =	sst s10  }
0x35: {  	s10 =	sld [smem:$0x3FB9];
	_ =	sdelay $0x3  }
0x36: {  	p1 =	seq.s32 s10, $0x1;
	s10 =	sld [smem:$0x3FBA];
	_ =	sdelay $0x3  }
0x37: {  	[smem:$0x3FBA] =	sst s10  }
0x38: {  	s10 =	sld [smem:$0x3FBB]  }
0x39: {  	_ = 	snop;
	(pc) =	sbr.ind lr, $3  }
0x3a: {  	_ = 	snop  }
0x3b: {  	_ = 	snop  }
0x3c: {  	p2 =	seq.s32 s10, $0x1;
	s10 =	sld [smem:$0x3FBA]  }
0x3d: {  	_ =	shalt  }
0x3e: {  	_ =	shalt  }
0x3f: {  	_ =	shalt  }
0x40: {  	_ =	shalt  }
0x41: {  	_ =	shalt  }
0x42: {  	_ =	shalt  }
0x43: {  	_ =	shalt  }
0x44: {  	_ =	shalt  }
0x45: {  	_ =	shalt  }
0x46: {  	_ =	shalt  }
0x47: {  	_ =	shalt  }
0x48: {  	_ =	shalt  }
0x49: {  	_ =	shalt  }
0x4a: {  	_ =	shalt  }
0x4b: {  	_ =	shalt  }
0x4c: {  	_ =	shalt  }
0x4d: {  	_ =	shalt  }
0x4e: {  	_ =	shalt  }
0x4f: {  	_ =	shalt  }
0x50: {  	_ =	shalt  }
0x51: {  	_ =	shalt  }
0x52: {  	_ =	shalt  }
0x53: {  	_ =	shalt  }
0x54: {  	_ =	shalt  }
0x55: {  	_ =	shalt  }
0x56: {  	_ =	shalt  }
0x57: {  	_ =	shalt  }
0x58: {  	_ =	shalt  }
0x59: {  	_ =	shalt  }
0x5a: {  	_ =	shalt  }
0x5b: {  	_ =	shalt  }
0x5c: {  	_ =	shalt  }
0x5d: {  	_ =	shalt  }
0x5e: {  	_ =	shalt  }
0x5f: {  	_ =	shalt  }
0x60: {  	_ =	shalt  }
0x61: {  	_ =	shalt  }
0x62: {  	_ =	shalt  }
0x63: {  	_ =	shalt  }
0x64: {  	_ =	shalt  }
0x65: {  	_ =	shalt  }
0x66: {  	_ =	shalt  }
0x67: {  	_ =	shalt  }
0x68: {  	_ =	shalt  }
0x69: {  	_ =	shalt  }
0x6a: {  	_ =	shalt  }
0x6b: {  	_ =	shalt  }
0x6c: {  	_ =	shalt  }
0x6d: {  	_ =	shalt  }
0x6e: {  	_ =	shalt  }
0x6f: {  	_ =	shalt  }
0x70: {  	_ =	shalt  }
0x71: {  	_ =	shalt  }
0x72: {  	_ =	shalt  }
0x73: {  	_ =	shalt  }
0x74: {  	_ =	shalt  }
0x75: {  	_ =	shalt  }
0x76: {  	_ =	shalt  }
0x77: {  	_ =	shalt  }
0x78: {  	_ =	shalt  }
0x79: {  	_ =	shalt  }
0x7a: {  	_ =	shalt  }
0x7b: {  	_ =	shalt  }
0x7c: {  	_ =	shalt  }
0x7d: {  	_ =	shalt  }
0x7e: {  	_ =	shalt  }
0x7f: {  	_ =	shalt  }
0x80: {  	_ =	shalt  }
0x81: {  	_ =	shalt  }
0x82: {  	_ =	shalt  }
0x83: {  	_ =	shalt  }
0x84: {  	_ =	shalt  }
0x85: {  	_ =	shalt  }
0x86: {  	_ =	shalt  }
0x87: {  	_ =	shalt  }
.Lfunc_end0:
.L_simem_size_0:
called_computation_lowered:
.L_overlay_start_0:
0x88: {  	s2 =	sld [smem:$0x3FD9]  }
0x89: {  	s3 =	sld [smem:$0x3FFE];
	_ =	sdelay $0x1  }
0x8a: {  	s1 =	srdreg.scid  }
0x8b: {  	s0 =	sand.u32 $0x1, s1  }
0x8c: {  	s15 =	sshll.u32 s0, $0xA;
	s2 =	sadd.s32 s3, s2  }
0x8d: {  	s2 =	sadd.s32 s2, s15  }
0x8e: {  	[smem:$0x3FC6] =	sst s2  }
0x8f: {  	_ = 	snop  }
0x90: {  	s2 =	sld [smem:$0x3FD0];
	_ =	sdelay $0x1  }
0x91: {  	s16 =	sld [smem:$0x3FC9]  }
0x92: {  	s5 =	simm.s32 $0xA;
	s6 =	simm.s32 $0x10;
	s4 =	sld [smem:$0x3FC8]  }
0x93: {  	[smem:s6], [sflag:s5] =	dma.local [hbm:s2], $0x1  }
0x94: {  	_ =	swait.eq [sflag:s5], $0x1  }
0x95: {  	[sflag:s5] =	ssyncset.done $0x0  }
0x96: {  	s17 =	sld [smem:$0x10];
	[sflag:s5] =	ssyncadd.s32 $0xFFFFFFFF  }
0x97: {  	s18 =	sld [smem:$0x11];
	(tm) =	ssettm $0x1  }
0x98: {  	s19 =	sld [smem:$0x3FFB];
	_ =	sdelay $0x3  }
0x99: {  	_ =	strace s19  }
0x9a: {  	s6 =	sld [smem:$0x3FFC];
	_ =	sdelay $0x3  }
0x9b: {  	_ =	strace s6  }
0x9c: {  	s6 =	sld [smem:$0x3FFD];
	_ =	sdelay $0x3  }
0x9d: {  	_ =	strace s6  }
0x9e: {  	_ =	strace $0x8FFFFFFF  }
0x9f: {  	s20 =	sld [smem:$0x3FDB];
	_ =	sdelay $0x1  }
0xa0: {  	s7 =	simm.s32 $_scs_section_size  }
0xa1: {  	s8 =	simm.s32 $_size__tile_overlayer_lowered;
	s9 =	simm.s32 $_tile_overlayer_lowered  }
0xa2: {  	s23 =	simm.s32 $0x1BFF;
	s22 =	sshll.u32 s9, $0x1;
	s6 =	sadd.s32 s7, s20  }
0xa3: {  	s10 =	simm.s32 $0x0;
	s21 =	sshll.u32 s8, $0x1;
	s8 =	sadd.s32 s22, s6  }
0xa4: {  	[timem:s10], [sflag:s23] =	dma.local [hbm:s8], s21  }
0xa5: {  	_ =	swait.ge [sflag:s23], s21  }
0xa6: {  	s7 =	ssub.s32 $0x0, s21;
	[sflag:s23] =	ssyncset.done $0x0  }
0xa7: {  	[sflag:s23] =	ssyncadd.s32 s7;
	_ =	sdelay $0x1  }
0xa8: {  	s24 =	simm.s32 $0x1B8B  }
0xa9: {  	_ =	swait.ge [sflag:s24], $0x1  }
0xaa: {  	[sflag:s24] =	ssyncset.done $0x0  }
0xab: {  	s25 =	simm.s32 $0x1B8E;
	[sflag:s24] =	ssyncadd.s32 $0xFFFFFFFF  }
0xac: {  	s26 =	simm.s32 $execute0_lowered;
	[smem:$0x3FD2] =	sst s25  }
0xad: {  	s7 =	sshll.u32 s26, $0x1;
	_ =	strace $0x80000046;
	[dreg:$0x1] =	wrdreg $0xFFFFFFFF  }
0xae: {  	s28 =	simm.s32 $_size_execute0_lowered;
	s6 =	sadd.s32 s6, s7;
	[dreg:$0x0] =	wrdreg $0x0  }
0xaf: {  	s7 =	sshll.u32 s28, $0x1;
	[dreg:$0x2] =	wrdreg s6  }
0xb0: {  	[dreg:$0x3] =	wrdreg s7  }
0xb1: {  	[dreg:$0x4] =	wrdreg $0xC0  }
0xb2: {  	_ =	task [dreg:s10], $0x5FFFF  }
0xb3: {  	[dreg:$0x1] =	wrdreg $0xFFFFFFFF  }
0xb4: {  	[dreg:$0x0] =	wrdreg $0x60  }
0xb5: {  	[dreg:$0x2] =	wrdreg s16  }
0xb6: {  	[dreg:$0x3] =	wrdreg s4  }
0xb7: {  	[dreg:$0x4] =	wrdreg s17  }
0xb8: {  	[dreg:$0x5] =	wrdreg s18  }
0xb9: {  	[dreg:$0x6] =	wrdreg $0xC0000  }
0xba: {  	[dreg:$0x7] =	wrdreg $0x120000  }
0xbb: {  	[dreg:$0x8] =	wrdreg $0x9  }
0xbc: {  	_ =	task.clear_ibuf [dreg:s10], $0x9FFFF;
	_ =	strace $0x90000046  }
0xbd: {  	s29 =	simm.s32 $0x9;
	_ =	strace $0x80000048  }
0xbe: {  	_ =	swait.ge [sflag:s29], $0x1  }
0xbf: {  	[sflag:s29] =	ssyncadd.s32 $0xFFFFFFFF  }
0xc0: {  	_ =	strace $0x90000048  }
0xc1: {  	_ =	sfence  }
0xc2: {  	s30 =	sld [smem:$0x0];
	_ =	sdelay $0x2  }
0xc3: {  	s31 =	sshll.u32 s1, $0xD;
	s1 =	sshrl.u32 s1, $0x2  }
0xc4: {  	s3 =	sand.u32 $0x4000, s31;
	s1 =	sadd.s32 s1, s30  }
0xc5: {  	s0 =	sor.u32 s3, s0;
	s1 =	sshll.u32 s1, $0x11  }
0xc6: {  	s0 =	sor.u32 s1, s0  }
0xc7: {  	s0 =	sadd.s32 $0x8F2B, s0  }
0xc8: {  	[sflag:s0] =	ssyncadd.remote.s32 $0x1  }
0xc9: {  	_ =	sfence.sel $0xFFFF  }
0xca: {  	[dreg:$0x0] =	wrdreg $0xFFFFFFFF;
	(pc) =	sbr.abs _section_cstart, $3  }
0xcb: {  	[dreg:$0x1] =	wrdreg $0xFFFFFFFF  }
0xcc: {  	_ =	task.clear_ibuf [dreg:s10], $0x2FFFF;
	_ =	strace $0x9FFFFFFF  }
0xcd: {  	(tm) =	ssettm $0x7FFFFFFF  }
tec
execute0_lowered:
.L_overlay_start_1:
0x0: {  	(tag) =	ssettag $0x1  }
0x1: {  	s22 =	rddreg [dreg:$0x0]  }
0x2: {  	s0 =	rddreg [dreg:$0x1]  }
0x3: {  	s25 =	rddreg [dreg:$0x2];
	s1 =	srdreg.scid  }
0x4: {  	[dreg:$0x7] =	wrdreg s0;
	s0 =	stileid.u32  }
0x5: {  	s28 =	rddreg [dreg:$0x3];
	s30 =	sand.u32 $0x1, s1;
	s23 =	sshll.u32 s0, $0x1  }
0x6: {  	s4 =	rddreg [dreg:$0x4];
	s29 =	sor.u32 s30, s23  }
0x7: {  	s3 =	rddreg [dreg:$0x5];
	s2 =	simm.s32 $0x0;
	s6 =	smul.u32 $0x9000, s29  }
0x8: {  	[smem:$0x7FF] =	sst s2  }
0x9: {  	_ =	strace $0x80000047;
	s5 =	smul.u32 $0x48000, s29;
	s24 =	sadd.s32 s22, s6  }
0xa: {  	s8 =	sor.u32 $0xC00, s6;
	s6 =	sadd.s32 s25, s6;
	[dreg:$0x8] =	wrdreg s24  }
0xb: {  	s1 =	sadd.s32 s22, s8;
	[dreg:$0xb] =	wrdreg s6  }
0xc: {  	s23 =	sshrl.u32 s5, $0x3;
	s14 =	sadd.s32 s25, s8;
	[dreg:$0xa] =	wrdreg s1  }
0xd: {  	s7 =	sadd.s32 $0x4800, s23;
	s9 =	sadd.s32 $0x5400, s23;
	[dreg:$0xf] =	wrdreg s14  }
0xe: {  	s12 =	sadd.s32 $0x1800, s23;
	s26 =	sadd.s32 s22, s7;
	s14 =	rddreg [dreg:$0x7]  }
0xf: {  	s13 =	sadd.s32 s22, s12;
	s21 =	sadd.s32 s25, s12;
	s12 =	rddreg [dreg:$0x8]  }
0x10: {  	s10 =	sadd.s32 s22, s9;
	[dreg:$0x9] =	wrdreg s26  }
0x11: {  	s11 =	sadd.s32 s25, s7;
	[dreg:$0xc] =	wrdreg s10  }
0x12: {  	s15 =	sadd.s32 $0x6000, s23;
	[dreg:$0xd] =	wrdreg s11  }
0x13: {  	s16 =	sadd.s32 s22, s15;
	[dreg:$0xe] =	wrdreg s13  }
0x14: {  	s18 =	sadd.s32 $0x2400, s23;
	s17 =	sadd.s32 s25, s9;
	[dreg:$0x10] =	wrdreg s16  }
0x15: {  	s20 =	sadd.s32 s22, s18;
	[dreg:$0x11] =	wrdreg s17  }
0x16: {  	s19 =	sadd.s32 $0x6C00, s23;
	[dreg:$0x12] =	wrdreg s20  }
0x17: {  	s8 =	sshll.u32 s0, $0x6;
	s24 =	sadd.s32 s22, s19;
	[dreg:$0x13] =	wrdreg s21  }
0x18: {  	s7 =	sadd.s32 s25, s18;
	[dreg:$0x14] =	wrdreg s24;
	s26 =	sadd.s32 s25, s15  }
0x19: {  	s21 =	sadd.s32 $0x3000, s23;
	s13 =	smul.u32 $0x6000, s0;
	[dreg:$0x17] =	wrdreg s7  }
0x1a: {  	s7 =	sor.u32 $0x1C05, s8;
	s24 =	sadd.s32 $0x7800, s23;
	[dreg:$0x15] =	wrdreg s26  }
0x1b: {  	s15 =	simm.s32 $0x18000;
	s1 =	sadd.s32 s22, s21;
	s11 =	rddreg [dreg:$0x9]  }
0x1c: {  	[tilespmem:s15], [sflag:$0x9] =	stream.linear.gather [hbm4b:s14+s2], $0x400, $0x38;
	[tilespmem:$0x18480] =	vst v63  }
0x1d: {  	s9 =	sadd.s32 s22, s24;
	[dreg:$0x16] =	wrdreg s1;
	s4 =	sadd.s32 s13, s4  }
0x1e: {  	s10 =	simm.s32 $0x1;
	[dreg:$0x18] =	wrdreg s9;
	s9 =	sshrl.u32 s4, $0x3  }
0x1f: {  	[tilespmem:s2], [sflag:$0x1] =	stream.linear.gather [hbm4b:s12+s2], $0x6000, $0x38;
	[tilespmem:$0x18480] =	vst v63  }
0x20: {  	[spmem:s9], [sflag:s7] =	dma.local [hbm:s11], $0xC00  }
0x21: {  	_ =	swait.ge [sflag:s10], $0x6000  }
0x22: {  	[sflag:s10] =	ssyncset.done $0x0  }
0x23: {  	s11 =	simm.s32 $0x6000;
	s16 =	rddreg [dreg:$0xa];
	[sflag:s10] =	ssyncadd.s32 $0xFFFFA000  }
0x24: {  	[tilespmem:s11], [sflag:$0x2] =	stream.linear.gather [hbm4b:s16+s2], $0x6000, $0x38;
	[tilespmem:$0x18480] =	vst v63  }
0x25: {  	s12 =	simm.s32 $0x5;
	s17 =	rddreg [dreg:$0xb]  }
0x26: {  	[hbm4b:s17+s2] =	stream.linear.scatter [tilespmem:s2], [sflag:$0x3], $0x6000, $0x38;
	[tilespmem:$0x18480] =	vst v63  }
0x27: {  	_ =	swait.ge [sflag:s12], $0xC00  }
0x28: {  	s14 =	sor.u32 $0x1C06, s8;
	s3 =	sadd.s32 s13, s3;
	[sflag:s12] =	ssyncset.done $0x0  }
0x29: {  	s13 =	sshrl.u32 s3, $0x3;
	s18 =	rddreg [dreg:$0xc];
	[sflag:s12] =	ssyncadd.s32 $0xFFFFF400  }
0x2a: {  	[spmem:s13], [sflag:s14] =	dma.local [hbm:s18], $0xC00  }
0x2b: {  	s15 =	simm.s32 $0x2;
	s16 =	sor.u32 $0x1C07, s8;
	s20 =	rddreg [dreg:$0xd]  }
0x2c: {  	[hbm:s20], [sflag:s16] =	dma.local [spmem:s9], $0xC00  }
0x2d: {  	_ =	swait.ge [sflag:s15], $0x6000  }
0x2e: {  	[sflag:s15] =	ssyncset.done $0x0  }
0x2f: {  	s3 =	simm.s32 $0x3;
	[sflag:s15] =	ssyncadd.s32 $0xFFFFA000  }
0x30: {  	_ =	swait.ge [sflag:s3], $0x6000  }
0x31: {  	[sflag:s3] =	ssyncset.done $0x0  }
0x32: {  	s26 =	rddreg [dreg:$0xe];
	[sflag:s3] =	ssyncadd.s32 $0xFFFFA000  }
0x33: {  	[tilespmem:s2], [sflag:$0x1] =	stream.linear.gather [hbm4b:s26+s2], $0x6000, $0x38;
	[tilespmem:$0x18480] =	vst v63  }
0x34: {  	s17 =	simm.s32 $0x6;
	s0 =	rddreg [dreg:$0xf]  }
0x35: {  	[hbm4b:s0+s2] =	stream.linear.scatter [tilespmem:s11], [sflag:$0x4], $0x6000, $0x38;
	[tilespmem:$0x18480] =	vst v63  }
0x36: {  	_ =	swait.ge [sflag:s17], $0xC00  }
0x37: {  	[sflag:s17] =	ssyncset.done $0x0  }
0x38: {  	s4 =	simm.s32 $0x7;
	[sflag:s17] =	ssyncadd.s32 $0xFFFFF400  }
0x39: {  	_ =	swait.ge [sflag:s4], $0xC00  }
0x3a: {  	[sflag:s4] =	ssyncset.done $0x0  }
0x3b: {  	s1 =	rddreg [dreg:$0x10];
	[sflag:s4] =	ssyncadd.s32 $0xFFFFF400  }
0x3c: {  	[spmem:s9], [sflag:s7] =	dma.local [hbm:s1], $0xC00  }
0x3d: {  	s18 =	sor.u32 $0x1C08, s8;
	s6 =	rddreg [dreg:$0x11]  }
0x3e: {  	[hbm:s6], [sflag:s18] =	dma.local [spmem:s13], $0xC00  }
0x3f: {  	_ =	swait.ge [sflag:s10], $0x6000  }
0x40: {  	[sflag:s10] =	ssyncset.done $0x0  }
0x41: {  	s5 =	simm.s32 $0x4;
	[sflag:s10] =	ssyncadd.s32 $0xFFFFA000  }
0x42: {  	_ =	swait.ge [sflag:s5], $0x6000  }
0x43: {  	[sflag:s5] =	ssyncset.done $0x0  }
0x44: {  	s8 =	rddreg [dreg:$0x12];
	[sflag:s5] =	ssyncadd.s32 $0xFFFFA000  }
0x45: {  	[tilespmem:s11], [sflag:$0x2] =	stream.linear.gather [hbm4b:s8+s2], $0x6000, $0x38;
	[tilespmem:$0x18480] =	vst v63  }
0x46: {  	s20 =	rddreg [dreg:$0x13]  }
0x47: {  	[hbm4b:s20+s2] =	stream.linear.scatter [tilespmem:s2], [sflag:$0x3], $0x6000, $0x38;
	[tilespmem:$0x18480] =	vst v63  }
0x48: {  	_ =	swait.ge [sflag:s12], $0xC00  }
0x49: {  	[sflag:s12] =	ssyncset.done $0x0  }
0x4a: {  	s6 =	simm.s32 $0x8;
	[sflag:s12] =	ssyncadd.s32 $0xFFFFF400  }
0x4b: {  	_ =	swait.ge [sflag:s6], $0xC00  }
0x4c: {  	[sflag:s6] =	ssyncset.done $0x0  }
0x4d: {  	s26 =	rddreg [dreg:$0x14];
	[sflag:s6] =	ssyncadd.s32 $0xFFFFF400  }
0x4e: {  	[spmem:s13], [sflag:s14] =	dma.local [hbm:s26], $0xC00  }
0x4f: {  	s20 =	rddreg [dreg:$0x15]  }
0x50: {  	[hbm:s20], [sflag:s16] =	dma.local [spmem:s9], $0xC00  }
0x51: {  	_ =	swait.ge [sflag:s15], $0x6000  }
0x52: {  	[sflag:s15] =	ssyncset.done $0x0  }
0x53: {  	[sflag:s15] =	ssyncadd.s32 $0xFFFFA000  }
0x54: {  	_ =	swait.ge [sflag:s3], $0x6000  }
0x55: {  	[sflag:s3] =	ssyncset.done $0x0  }
0x56: {  	s0 =	rddreg [dreg:$0x16];
	[sflag:s3] =	ssyncadd.s32 $0xFFFFA000  }
0x57: {  	[tilespmem:s2], [sflag:$0x1] =	stream.linear.gather [hbm4b:s0+s2], $0x6000, $0x38;
	[tilespmem:$0x18480] =	vst v63  }
0x58: {  	s26 =	rddreg [dreg:$0x17]  }
0x59: {  	[hbm4b:s26+s2] =	stream.linear.scatter [tilespmem:s11], [sflag:$0x4], $0x6000, $0x38;
	[tilespmem:$0x18480] =	vst v63  }
0x5a: {  	_ =	swait.ge [sflag:s17], $0xC00  }
0x5b: {  	[sflag:s17] =	ssyncset.done $0x0  }
0x5c: {  	[sflag:s17] =	ssyncadd.s32 $0xFFFFF400  }
0x5d: {  	_ =	swait.ge [sflag:s4], $0xC00  }
0x5e: {  	[sflag:s4] =	ssyncset.done $0x0  }
0x5f: {  	s19 =	sadd.s32 s25, s19;
	s1 =	rddreg [dreg:$0x18];
	[sflag:s4] =	ssyncadd.s32 $0xFFFFF400  }
0x60: {  	[spmem:s9], [sflag:s7] =	dma.local [hbm:s1], $0xC00  }
0x61: {  	[hbm:s19], [sflag:s18] =	dma.local [spmem:s13], $0xC00  }
0x62: {  	_ =	swait.ge [sflag:s10], $0x6000  }
0x63: {  	[sflag:s10] =	ssyncset.done $0x0  }
0x64: {  	[sflag:s10] =	ssyncadd.s32 $0xFFFFA000  }
0x65: {  	_ =	swait.ge [sflag:s5], $0x6000  }
0x66: {  	s8 =	sadd.s32 $0x3C00, s23;
	[sflag:s5] =	ssyncset.done $0x0  }
0x67: {  	s20 =	sadd.s32 s22, s8;
	[sflag:s5] =	ssyncadd.s32 $0xFFFFA000  }
0x68: {  	[tilespmem:s11], [sflag:$0x2] =	stream.linear.gather [hbm4b:s20+s2], $0x6000, $0x38;
	[tilespmem:$0x18480] =	vst v63  }
0x69: {  	s21 =	sadd.s32 s25, s21  }
0x6a: {  	[hbm4b:s21+s2] =	stream.linear.scatter [tilespmem:s2], [sflag:$0x3], $0x6000, $0x38;
	[tilespmem:$0x18480] =	vst v63  }
0x6b: {  	_ =	swait.ge [sflag:s12], $0xC00  }
0x6c: {  	[sflag:s12] =	ssyncset.done $0x0  }
0x6d: {  	[sflag:s12] =	ssyncadd.s32 $0xFFFFF400  }
0x6e: {  	_ =	swait.ge [sflag:s6], $0xC00  }
0x6f: {  	s31 =	sadd.s32 $0x8400, s23;
	[sflag:s6] =	ssyncset.done $0x0  }
0x70: {  	s23 =	sadd.s32 s25, s24;
	s22 =	sadd.s32 s22, s31;
	[sflag:s6] =	ssyncadd.s32 $0xFFFFF400  }
0x71: {  	[spmem:s13], [sflag:s14] =	dma.local [hbm:s22], $0xC00  }
0x72: {  	[hbm:s23], [sflag:s16] =	dma.local [spmem:s9], $0xC00  }
0x73: {  	_ =	swait.ge [sflag:s15], $0x6000  }
0x74: {  	[sflag:s15] =	ssyncset.done $0x0  }
0x75: {  	s24 =	sadd.s32 s25, s8;
	[sflag:s15] =	ssyncadd.s32 $0xFFFFA000  }
0x76: {  	[hbm4b:s24+s2] =	stream.linear.scatter [tilespmem:s11], [sflag:$0x4], $0x6000, $0x38;
	[tilespmem:$0x18480] =	vst v63  }
0x77: {  	_ =	swait.ge [sflag:s17], $0xC00  }
0x78: {  	[sflag:s17] =	ssyncset.done $0x0  }
0x79: {  	s25 =	sadd.s32 s25, s31;
	s26 =	simm.s32 $0x9;
	[sflag:s17] =	ssyncadd.s32 $0xFFFFF400  }
0x7a: {  	[hbm:s25], [sflag:s18] =	dma.local [spmem:s13], $0xC00  }
0x7b: {  	_ =	swait.ge [sflag:s26], $0x400  }
0x7c: {  	[sflag:s26] =	ssyncset.done $0x0  }
0x7d: {  	[sflag:s26] =	ssyncadd.s32 $0xFFFFFC00  }
0x7e: {  	v7 =	vld [tilespmem:$0x18100]  }
0x7f: {  	v8 =	vld [tilespmem:$0x18100]  }
0x80: {  	v5 =	vld [tilespmem:$0x18180]  }
0x81: {  	v6 =	vld [tilespmem:$0x18100]  }
0x82: {  	v9 =	vld [tilespmem:$0x18080]  }
0x83: {  	v10 =	vld [tilespmem:$0x18000]  }
0x84: {  	v14 =	vld [tilespmem:$0x18000]  }
0x85: {  	v0 =	vlaneseq.u32;
	s31 =	sshll.u32 s29, $0x6;
	v19 =	vld [tilespmem:$0x18200]  }
0x86: {  	v1 =	vor.u32 $0x10, v0;
	v3 =	vor.u32 $0x30, v0;
	v2 =	vor.u32 s31, v0;
	v11 =	vld [tilespmem:$0x18080]  }
0x87: {  	v1 =	vor.u32 s31, v1;
	v0 =	vor.u32 $0x20, v0;
	v4 =	vor.u32 s31, v3;
	v15 =	vld [tilespmem:$0x18180]  }
0x88: {  	v3 =	vor.u32 s31, v0;
	v0 =	vimm.s32 $0x0;
	v5 =	vsub.s32 v5, v4  }
0x89: {  	v12 =	vld [tilespmem:$0x18080];
	v6 =	vsub.s32 v6, v4;
	v14 =	vsub.s32 v14, v3;
	v7 =	vsub.s32 v7, v2  }
0x8a: {  	v13 =	vld [tilespmem:$0x18000];
	v8 =	vsub.s32 v8, v3;
	v26 =	vsub.s32 v19, v3;
	vm0 =	vgt.s32 v5, $0x0  }
0x8b: {  	v5 =	vsub.s32 v9, v4;
	vm1 =	vgt.s32 v6, $0x0;
	v6 =	vsub.s32 v10, v1  }
0x8c: {  	v9 =	vld [tilespmem:$0x18000];
	v10 =	vsub.s32 v11, v2;
	vm4 =	vgt.s32 v14, $0x0;
	v14 =	vsub.s32 v15, v2  }
0x8d: {  	v11 =	vld [tilespmem:$0x18080];
	vm2 =	vgt.s32 v5, $0x0;
	v5 =	vsel vm1, $0x1, v0;
	vm1 =	vgt.s32 v6, $0x0  }
0x8e: {  	vm3 =	vgt.s32 v10, $0x0;
	v10 =	vsub.s32 v12, v3;
	v12 =	vld [tilespmem:$0x18180];
	v6 =	vsel vm2, $0x1, v0  }
0x8f: {  	v16 =	vsel vm1, $0x1, v0;
	vm1 =	vgt.s32 v10, $0x0;
	v10 =	vsub.s32 v13, v4;
	v13 =	vld [tilespmem:$0x18200]  }
0x90: {  	vm2 =	vgt.s32 v7, $0x0;
	v17 =	vsel vm1, $0x1, v0;
	vm1 =	vgt.s32 v10, $0x0;
	v10 =	vld [tilespmem:$0x18100]  }
0x91: {  	v28 =	vld [tilespmem:$0x18380];
	v21 =	vsel vm3, $0x1, v0;
	v7 =	vsel vm1, $0x1, v0;
	v9 =	vsub.s32 v9, v2  }
0x92: {  	v18 =	vld [tilespmem:$0x18180];
	v11 =	vsub.s32 v11, v1;
	vm1 =	vgt.s32 v9, $0x0;
	v9 =	vsel vm2, $0x1, v0  }
0x93: {  	v24 =	vld [tilespmem:$0x18280];
	vm2 =	vgt.s32 v8, $0x0;
	v12 =	vsub.s32 v12, v3;
	v8 =	vsel vm1, $0x1, v0  }
0x94: {  	v20 =	vld [tilespmem:$0x18280];
	v15 =	vsel vm2, $0x1, v0;
	vm1 =	vgt.s32 v14, $0x0;
	vm2 =	vgt.s32 v11, $0x0  }
0x95: {  	s30 =	ssub.s32 $0x2, s30;
	v29 =	vld [tilespmem:$0x18300];
	v13 =	vsub.s32 v13, v2;
	v8 =	vadd.s32 v8, v21;
	v10 =	vsub.s32 v10, v1  }
0x96: {  	s31 =	sshrl.u32 s30, $0x1;
	v27 =	vld [tilespmem:$0x18300];
	v25 =	vsel vm2, $0x1, v0;
	vm3 =	vgt.s32 v13, $0x0;
	v13 =	vsub.s32 v28, v4  }
0x97: {  	s30 =	ssub.s32 s30, s31;
	v14 =	vld [tilespmem:$0x18280];
	v9 =	vadd.s32 v9, v8;
	v8 =	vsub.s32 v18, v1;
	v18 =	vsel vm4, $0x1, v0  }
0x98: {  	s30 =	smax.u32 s30, $0x1;
	v11 =	vld [tilespmem:$0x18200];
	vm4 =	vgt.s32 v10, $0x0;
	v23 =	vsel vm3, $0x1, v0;
	v10 =	vsub.s32 v24, v4  }
0x99: {  	p0 =	sne.s32 s30, $0x1;
	v22 =	vld [tilespmem:$0x18380];
	vm2 =	vgt.s32 v8, $0x0;
	v17 =	vadd.s32 v18, v17;
	v18 =	vsel vm1, $0x1, v0  }
.Ltmp0:
0x9a: {  	v21 =	vld [tilespmem:$0x18300];
	vm1 =	vgt.s32 v12, $0x0;
	vm3 =	vgt.s32 v10, $0x0;
	v10 =	vsub.s32 v29, v3;
	(pc) =	sbr.rel @!p0 .LBB2_3-.Ltmp0, $4  }
0x9b: {  	v24 =	vld [tilespmem:$0x18300];
	v19 =	vadd.s32 v18, v9;
	v18 =	vadd.s32 v16, v25;
	v15 =	vadd.s32 v15, v17  }
0x9c: {  	v8 =	vld [tilespmem:$0x18200];
	v16 =	vsub.s32 v20, v2;
	v17 =	vsel vm2, $0x1, v0;
	vm2 =	vgt.s32 v26, $0x0  }
0x9d: {  	s29 =	sshll.u32 s29, $0x3;
	v25 =	vld [tilespmem:$0x18380];
	v20 =	vsub.s32 v27, v4;
	v12 =	vsub.s32 v14, v3;
	v9 =	vsub.s32 v11, v4  }
0x9e: {  	s29 =	sadd.s32 s28, s29;
	s28 =	simm.s32 $0xA;
	s31 =	sadd.s32 $0xFFFFFFFF, s30;
	v11 =	vsel vm1, $0x1, v0;
	v14 =	vsel vm4, $0x1, v0;
	vm1 =	vgt.s32 v9, $0x0;
	v9 =	vld [tilespmem:$0x18280]  }
0x9f: {  	s30 =	simm.s32 $0x18000  }
.LBB2_2:
0xa0: {  	v19 =	vadd.s32 v23, v19;
	v6 =	vadd.s32 v7, v6  }
0xa1: {  	v14 =	vadd.s32 v14, v18;
	v11 =	vadd.s32 v11, v15;
	vm6 =	vgt.s32 v13, $0x0  }
0xa2: {  	v23 =	vld [tilespmem:$0x18380];
	v5 =	vadd.s32 v5, v6;
	v6 =	vsel vm0, $0x1, v0;
	vm0 =	vgt.s32 v12, $0x0  }
0xa3: {  	v14 =	vadd.s32 v17, v14;
	v5 =	vadd.s32 v6, v5;
	v6 =	vsel vm1, $0x1, v0  }
0xa4: {  	v5 =	vadd.s32 v6, v5;
	v6 =	vsel vm3, $0x1, v0;
	vm3 =	vgt.s32 v16, $0x0  }
0xa5: {  	v21 =	vsub.s32 v21, v2;
	v7 =	vsub.s32 v22, v2;
	v12 =	vsub.s32 v25, v3  }
0xa6: {  	v5 =	vadd.s32 v6, v5;
	v6 =	vsub.s32 v8, v1;
	v22 =	vsel vm0, $0x1, v0  }
0xa7: {  	v9 =	vsub.s32 v9, v1;
	vm4 =	vgt.s32 v21, $0x0;
	v8 =	vsub.s32 v23, v1  }
0xa8: {  	v21 =	vsub.s32 v24, v1;
	vm5 =	vgt.s32 v12, $0x0;
	vm0 =	vgt.s32 v8, $0x0  }
0xa9: {  	v8 =	vsel vm2, $0x1, v0;
	vm1 =	vgt.s32 v21, $0x0;
	vm2 =	vgt.s32 v20, $0x0  }
0xaa: {  	v12 =	vsel vm4, $0x1, v0;
	vm4 =	vgt.s32 v6, $0x0;
	v6 =	vsel vm3, $0x1, v0  }
0xab: {  	vm3 =	vgt.s32 v7, $0x0;
	v7 =	vsel vm5, $0x1, v0;
	vm5 =	vgt.s32 v10, $0x0  }
0xac: {  	v8 =	vadd.s32 v8, v11;
	v11 =	vsel vm2, $0x1, v0;
	vm2 =	vgt.s32 v9, $0x0  }
0xad: {  	v9 =	vsel vm6, $0x1, v0;
	v10 =	vsel vm4, $0x1, v0;
	v5 =	vadd.s32 v11, v5  }
0xae: {  	v8 =	vadd.s32 v22, v8;
	v11 =	vsel vm2, $0x1, v0;
	v5 =	vadd.s32 v9, v5  }
0xaf: {  	v9 =	vsel vm3, $0x1, v0;
	[tilespmem:$0x18430] =	vst v5;
	v5 =	vadd.s32 v6, v19;
	v6 =	vadd.s32 v10, v14  }
0xb0: {  	v6 =	vadd.s32 v11, v6;
	v11 =	vsel vm5, $0x1, v0;
	v5 =	vadd.s32 v12, v5  }
0xb1: {  	v10 =	vsel vm1, $0x1, v0;
	v8 =	vadd.s32 v11, v8;
	v5 =	vadd.s32 v9, v5  }
0xb2: {  	v6 =	vadd.s32 v10, v6;
	v10 =	vsel vm0, $0x1, v0;
	v7 =	vadd.s32 v7, v8;
	[tilespmem:$0x18400] =	vst v5  }
0xb3: {  	v6 =	vadd.s32 v10, v6;
	[tilespmem:$0x18420] =	vst v7  }
0xb4: {  	s0 =	simm.s32 $0x18400;
	[tilespmem:$0x18410] =	vst v6  }
0xb5: {  	[hbm4b:s29+s2] =	stream.linear.scatter [tilespmem:s0], [sflag:$0xA], $0x40, $0x38;
	[tilespmem:$0x18480] =	vst v63  }
0xb6: {  	_ =	swait.ge [sflag:s3], $0x6000  }
0xb7: {  	[sflag:s3] =	ssyncset.done $0x0  }
0xb8: {  	[sflag:s3] =	ssyncadd.s32 $0xFFFFA000  }
0xb9: {  	_ =	swait.ge [sflag:s5], $0x6000  }
0xba: {  	[sflag:s5] =	ssyncset.done $0x0  }
0xbb: {  	[sflag:s5] =	ssyncadd.s32 $0xFFFFA000  }
0xbc: {  	_ =	swait.ge [sflag:s4], $0xC00  }
0xbd: {  	[sflag:s4] =	ssyncset.done $0x0  }
0xbe: {  	[sflag:s4] =	ssyncadd.s32 $0xFFFFF400  }
0xbf: {  	_ =	swait.ge [sflag:s6], $0xC00  }
0xc0: {  	[sflag:s6] =	ssyncset.done $0x0  }
0xc1: {  	[sflag:s6] =	ssyncadd.s32 $0xFFFFF400  }
0xc2: {  	_ =	swait.ge [sflag:s28], $0x40  }
0xc3: {  	[sflag:s28] =	ssyncset.done $0x0;
	s1 =	rddreg [dreg:$0x7]  }
0xc4: {  	s0 =	rddreg [dreg:$0x9];
	[sflag:s28] =	ssyncadd.s32 $0xFFFFFFC0  }
0xc5: {  	[tilespmem:s30], [sflag:$0x9] =	stream.linear.gather [hbm4b:s1+s2], $0x400, $0x38;
	[tilespmem:$0x18480] =	vst v63  }
0xc6: {  	s8 =	rddreg [dreg:$0x8]  }
0xc7: {  	[tilespmem:s2], [sflag:$0x1] =	stream.linear.gather [hbm4b:s8+s2], $0x6000, $0x38;
	[tilespmem:$0x18480] =	vst v63  }
0xc8: {  	[spmem:s9], [sflag:s7] =	dma.local [hbm:s0], $0xC00  }
0xc9: {  	_ =	swait.ge [sflag:s10], $0x6000  }
0xca: {  	[sflag:s10] =	ssyncset.done $0x0  }
0xcb: {  	s1 =	rddreg [dreg:$0xa];
	[sflag:s10] =	ssyncadd.s32 $0xFFFFA000  }
0xcc: {  	[tilespmem:s11], [sflag:$0x2] =	stream.linear.gather [hbm4b:s1+s2], $0x6000, $0x38;
	[tilespmem:$0x18480] =	vst v63  }
0xcd: {  	s8 =	rddreg [dreg:$0xb]  }
0xce: {  	[hbm4b:s8+s2] =	stream.linear.scatter [tilespmem:s2], [sflag:$0x3], $0x6000, $0x38;
	[tilespmem:$0x18480] =	vst v63  }
0xcf: {  	_ =	swait.ge [sflag:s12], $0xC00  }
0xd0: {  	[sflag:s12] =	ssyncset.done $0x0  }
0xd1: {  	s8 =	rddreg [dreg:$0xc];
	[sflag:s12] =	ssyncadd.s32 $0xFFFFF400  }
0xd2: {  	[spmem:s13], [sflag:s14] =	dma.local [hbm:s8], $0xC00  }
0xd3: {  	s0 =	rddreg [dreg:$0xd]  }
0xd4: {  	[hbm:s0], [sflag:s16] =	dma.local [spmem:s9], $0xC00  }
0xd5: {  	_ =	swait.ge [sflag:s15], $0x6000  }
0xd6: {  	[sflag:s15] =	ssyncset.done $0x0  }
0xd7: {  	[sflag:s15] =	ssyncadd.s32 $0xFFFFA000  }
0xd8: {  	_ =	swait.ge [sflag:s3], $0x6000  }
0xd9: {  	[sflag:s3] =	ssyncset.done $0x0  }
0xda: {  	s1 =	rddreg [dreg:$0xe];
	[sflag:s3] =	ssyncadd.s32 $0xFFFFA000  }
0xdb: {  	[tilespmem:s2], [sflag:$0x1] =	stream.linear.gather [hbm4b:s1+s2], $0x6000, $0x38;
	[tilespmem:$0x18480] =	vst v63  }
0xdc: {  	s8 =	rddreg [dreg:$0xf]  }
0xdd: {  	[hbm4b:s8+s2] =	stream.linear.scatter [tilespmem:s11], [sflag:$0x4], $0x6000, $0x38;
	[tilespmem:$0x18480] =	vst v63  }
0xde: {  	_ =	swait.ge [sflag:s17], $0xC00  }
0xdf: {  	[sflag:s17] =	ssyncset.done $0x0  }
0xe0: {  	[sflag:s17] =	ssyncadd.s32 $0xFFFFF400  }
0xe1: {  	_ =	swait.ge [sflag:s4], $0xC00  }
0xe2: {  	[sflag:s4] =	ssyncset.done $0x0  }
0xe3: {  	s8 =	rddreg [dreg:$0x10];
	[sflag:s4] =	ssyncadd.s32 $0xFFFFF400  }
0xe4: {  	[spmem:s9], [sflag:s7] =	dma.local [hbm:s8], $0xC00  }
0xe5: {  	s0 =	rddreg [dreg:$0x11]  }
0xe6: {  	[hbm:s0], [sflag:s18] =	dma.local [spmem:s13], $0xC00  }
0xe7: {  	_ =	swait.ge [sflag:s10], $0x6000  }
0xe8: {  	[sflag:s10] =	ssyncset.done $0x0  }
0xe9: {  	[sflag:s10] =	ssyncadd.s32 $0xFFFFA000  }
0xea: {  	_ =	swait.ge [sflag:s5], $0x6000  }
0xeb: {  	[sflag:s5] =	ssyncset.done $0x0  }
0xec: {  	s1 =	rddreg [dreg:$0x12];
	[sflag:s5] =	ssyncadd.s32 $0xFFFFA000  }
0xed: {  	[tilespmem:s11], [sflag:$0x2] =	stream.linear.gather [hbm4b:s1+s2], $0x6000, $0x38;
	[tilespmem:$0x18480] =	vst v63  }
0xee: {  	s8 =	rddreg [dreg:$0x13]  }
0xef: {  	[hbm4b:s8+s2] =	stream.linear.scatter [tilespmem:s2], [sflag:$0x3], $0x6000, $0x38;
	[tilespmem:$0x18480] =	vst v63  }
0xf0: {  	_ =	swait.ge [sflag:s12], $0xC00  }
0xf1: {  	[sflag:s12] =	ssyncset.done $0x0  }
0xf2: {  	[sflag:s12] =	ssyncadd.s32 $0xFFFFF400  }
0xf3: {  	_ =	swait.ge [sflag:s6], $0xC00  }
0xf4: {  	[sflag:s6] =	ssyncset.done $0x0  }
0xf5: {  	s8 =	rddreg [dreg:$0x14];
	[sflag:s6] =	ssyncadd.s32 $0xFFFFF400  }
0xf6: {  	[spmem:s13], [sflag:s14] =	dma.local [hbm:s8], $0xC00  }
0xf7: {  	s0 =	rddreg [dreg:$0x15]  }
0xf8: {  	[hbm:s0], [sflag:s16] =	dma.local [spmem:s9], $0xC00  }
0xf9: {  	_ =	swait.ge [sflag:s15], $0x6000  }
0xfa: {  	[sflag:s15] =	ssyncset.done $0x0  }
0xfb: {  	[sflag:s15] =	ssyncadd.s32 $0xFFFFA000  }
0xfc: {  	_ =	swait.ge [sflag:s3], $0x6000  }
0xfd: {  	[sflag:s3] =	ssyncset.done $0x0  }
0xfe: {  	s1 =	rddreg [dreg:$0x16];
	[sflag:s3] =	ssyncadd.s32 $0xFFFFA000  }
0xff: {  	[tilespmem:s2], [sflag:$0x1] =	stream.linear.gather [hbm4b:s1+s2], $0x6000, $0x38;
	[tilespmem:$0x18480] =	vst v63  }
0x100: {  	s8 =	rddreg [dreg:$0x17]  }
0x101: {  	[hbm4b:s8+s2] =	stream.linear.scatter [tilespmem:s11], [sflag:$0x4], $0x6000, $0x38;
	[tilespmem:$0x18480] =	vst v63  }
0x102: {  	_ =	swait.ge [sflag:s17], $0xC00  }
0x103: {  	[sflag:s17] =	ssyncset.done $0x0  }
0x104: {  	[sflag:s17] =	ssyncadd.s32 $0xFFFFF400  }
0x105: {  	_ =	swait.ge [sflag:s4], $0xC00  }
0x106: {  	[sflag:s4] =	ssyncset.done $0x0  }
0x107: {  	s8 =	rddreg [dreg:$0x18];
	[sflag:s4] =	ssyncadd.s32 $0xFFFFF400  }
0x108: {  	[spmem:s9], [sflag:s7] =	dma.local [hbm:s8], $0xC00  }
0x109: {  	[hbm:s19], [sflag:s18] =	dma.local [spmem:s13], $0xC00  }
0x10a: {  	_ =	swait.ge [sflag:s10], $0x6000  }
0x10b: {  	[sflag:s10] =	ssyncset.done $0x0  }
0x10c: {  	[sflag:s10] =	ssyncadd.s32 $0xFFFFA000  }
0x10d: {  	_ =	swait.ge [sflag:s5], $0x6000  }
0x10e: {  	[sflag:s5] =	ssyncset.done $0x0  }
0x10f: {  	[sflag:s5] =	ssyncadd.s32 $0xFFFFA000  }
0x110: {  	[tilespmem:s11], [sflag:$0x2] =	stream.linear.gather [hbm4b:s20+s2], $0x6000, $0x38;
	[tilespmem:$0x18480] =	vst v63  }
0x111: {  	_ = 	snop  }
0x112: {  	[hbm4b:s21+s2] =	stream.linear.scatter [tilespmem:s2], [sflag:$0x3], $0x6000, $0x38;
	[tilespmem:$0x18480] =	vst v63  }
0x113: {  	_ =	swait.ge [sflag:s12], $0xC00  }
0x114: {  	[sflag:s12] =	ssyncset.done $0x0  }
0x115: {  	[sflag:s12] =	ssyncadd.s32 $0xFFFFF400  }
0x116: {  	_ =	swait.ge [sflag:s6], $0xC00  }
0x117: {  	[sflag:s6] =	ssyncset.done $0x0  }
0x118: {  	[sflag:s6] =	ssyncadd.s32 $0xFFFFF400  }
0x119: {  	[spmem:s13], [sflag:s14] =	dma.local [hbm:s22], $0xC00  }
0x11a: {  	[hbm:s23], [sflag:s16] =	dma.local [spmem:s9], $0xC00  }
0x11b: {  	_ =	swait.ge [sflag:s15], $0x6000  }
0x11c: {  	[sflag:s15] =	ssyncset.done $0x0  }
0x11d: {  	[sflag:s15] =	ssyncadd.s32 $0xFFFFA000  }
0x11e: {  	[hbm4b:s24+s2] =	stream.linear.scatter [tilespmem:s11], [sflag:$0x4], $0x6000, $0x38;
	[tilespmem:$0x18480] =	vst v63  }
0x11f: {  	_ =	swait.ge [sflag:s17], $0xC00  }
0x120: {  	[sflag:s17] =	ssyncset.done $0x0  }
0x121: {  	[sflag:s17] =	ssyncadd.s32 $0xFFFFF400  }
0x122: {  	[hbm:s25], [sflag:s18] =	dma.local [spmem:s13], $0xC00  }
0x123: {  	_ =	swait.ge [sflag:s26], $0x400  }
0x124: {  	[sflag:s26] =	ssyncset.done $0x0  }
0x125: {  	[sflag:s26] =	ssyncadd.s32 $0xFFFFFC00  }
0x126: {  	v7 =	vld [tilespmem:$0x18100]  }
0x127: {  	v8 =	vld [tilespmem:$0x18100]  }
0x128: {  	v5 =	vld [tilespmem:$0x18180]  }
0x129: {  	v6 =	vld [tilespmem:$0x18100]  }
0x12a: {  	v9 =	vld [tilespmem:$0x18080]  }
0x12b: {  	v10 =	vld [tilespmem:$0x18000]  }
0x12c: {  	v14 =	vld [tilespmem:$0x18000]  }
0x12d: {  	v19 =	vld [tilespmem:$0x18200]  }
0x12e: {  	v11 =	vld [tilespmem:$0x18080]  }
0x12f: {  	v15 =	vld [tilespmem:$0x18180]  }
0x130: {  	v5 =	vsub.s32 v5, v4  }
0x131: {  	v12 =	vld [tilespmem:$0x18080];
	v6 =	vsub.s32 v6, v4;
	v14 =	vsub.s32 v14, v3;
	v7 =	vsub.s32 v7, v2  }
0x132: {  	v13 =	vld [tilespmem:$0x18000];
	v8 =	vsub.s32 v8, v3;
	v26 =	vsub.s32 v19, v3;
	vm0 =	vgt.s32 v5, $0x0  }
0x133: {  	v5 =	vsub.s32 v9, v4;
	vm1 =	vgt.s32 v6, $0x0;
	v6 =	vsub.s32 v10, v1  }
0x134: {  	v9 =	vld [tilespmem:$0x18000];
	v10 =	vsub.s32 v11, v2;
	vm4 =	vgt.s32 v14, $0x0;
	v14 =	vsub.s32 v15, v2  }
0x135: {  	v11 =	vld [tilespmem:$0x18080];
	vm2 =	vgt.s32 v5, $0x0;
	v5 =	vsel vm1, $0x1, v0;
	vm3 =	vgt.s32 v6, $0x0  }
0x136: {  	vm1 =	vgt.s32 v10, $0x0;
	v10 =	vsub.s32 v12, v3;
	v12 =	vld [tilespmem:$0x18180];
	v6 =	vsel vm2, $0x1, v0  }
0x137: {  	v16 =	vsel vm3, $0x1, v0;
	vm2 =	vgt.s32 v10, $0x0;
	v10 =	vsub.s32 v13, v4;
	v13 =	vld [tilespmem:$0x18200]  }
0x138: {  	vm3 =	vgt.s32 v7, $0x0;
	v17 =	vsel vm2, $0x1, v0;
	vm2 =	vgt.s32 v10, $0x0;
	v10 =	vld [tilespmem:$0x18100]  }
0x139: {  	v28 =	vld [tilespmem:$0x18380];
	v21 =	vsel vm1, $0x1, v0;
	vm1 =	vgt.s32 v14, $0x0;
	v9 =	vsub.s32 v9, v2  }
0x13a: {  	v18 =	vld [tilespmem:$0x18180];
	v7 =	vsel vm2, $0x1, v0;
	v11 =	vsub.s32 v11, v1;
	vm2 =	vgt.s32 v9, $0x0  }
0x13b: {  	v24 =	vld [tilespmem:$0x18280];
	v9 =	vsel vm3, $0x1, v0;
	vm3 =	vgt.s32 v8, $0x0;
	v12 =	vsub.s32 v12, v3  }
0x13c: {  	v20 =	vld [tilespmem:$0x18280];
	v8 =	vsel vm2, $0x1, v0;
	v15 =	vsel vm3, $0x1, v0;
	vm2 =	vgt.s32 v11, $0x0  }
0x13d: {  	v14 =	vld [tilespmem:$0x18280];
	v13 =	vsub.s32 v13, v2;
	v8 =	vadd.s32 v8, v21;
	v10 =	vsub.s32 v10, v1  }
0x13e: {  	v29 =	vld [tilespmem:$0x18300];
	v25 =	vsel vm2, $0x1, v0;
	vm3 =	vgt.s32 v13, $0x0;
	v13 =	vsub.s32 v28, v4  }
0x13f: {  	v27 =	vld [tilespmem:$0x18300];
	v9 =	vadd.s32 v9, v8;
	v8 =	vsub.s32 v18, v1;
	v18 =	vsel vm4, $0x1, v0  }
0x140: {  	v11 =	vld [tilespmem:$0x18200];
	vm4 =	vgt.s32 v10, $0x0;
	v23 =	vsel vm3, $0x1, v0;
	v10 =	vsub.s32 v24, v4  }
0x141: {  	p0 =	sne.s32 s31, $0x1;
	v22 =	vld [tilespmem:$0x18380];
	vm2 =	vgt.s32 v8, $0x0;
	v17 =	vadd.s32 v18, v17;
	v18 =	vsel vm1, $0x1, v0  }
.Ltmp1:
0x142: {  	v21 =	vld [tilespmem:$0x18300];
	vm1 =	vgt.s32 v12, $0x0;
	v12 =	vsub.s32 v14, v3;
	v14 =	vsel vm4, $0x1, v0;
	(pc) =	sbr.rel @p0 .LBB2_2-.Ltmp1, $4  }
0x143: {  	v24 =	vld [tilespmem:$0x18300];
	vm3 =	vgt.s32 v10, $0x0;
	v10 =	vsub.s32 v29, v3;
	v19 =	vadd.s32 v18, v9  }
0x144: {  	v8 =	vld [tilespmem:$0x18200];
	v18 =	vadd.s32 v16, v25;
	v15 =	vadd.s32 v15, v17;
	v16 =	vsub.s32 v20, v2  }
0x145: {  	v17 =	vsel vm2, $0x1, v0;
	vm2 =	vgt.s32 v26, $0x0;
	v25 =	vld [tilespmem:$0x18380];
	v9 =	vsub.s32 v11, v4  }
0x146: {  	s31 =	sadd.s32 $0xFFFFFFFF, s31;
	v20 =	vsub.s32 v27, v4;
	v11 =	vsel vm1, $0x1, v0;
	vm1 =	vgt.s32 v9, $0x0;
	v9 =	vld [tilespmem:$0x18280]  }
.LBB2_3:
0x147: {  	v4 =	vadd.s32 v23, v19;
	v6 =	vadd.s32 v7, v6  }
0x148: {  	v40 =	vsub.s32 v21, v2;
	v41 =	vsel vm0, $0x1, v0;
	v42 =	vsub.s32 v22, v2  }
0x149: {  	v43 =	vsel vm1, $0x1, v0;
	v45 =	vsel vm3, $0x1, v0;
	vm8 =	vgt.s32 v12, $0x0  }
0x14a: {  	v14 =	vadd.s32 v14, v18;
	v48 =	vsel vm2, $0x1, v0;
	v49 =	vadd.s32 v11, v15  }
0x14b: {  	vm11 =	vgt.s32 v20, $0x0;
	vm4 =	vgt.s32 v16, $0x0;
	vm6 =	vgt.s32 v13, $0x0  }
0x14c: {  	v5 =	vadd.s32 v5, v6;
	vm15 =	vgt.s32 v40, $0x0;
	v44 =	vsub.s32 v24, v1  }
0x14d: {  	v12 =	vsel vm8, $0x1, v0;
	v50 =	vadd.s32 v17, v14;
	v52 =	vsel vm4, $0x1, v0  }
0x14e: {  	vm13 =	vgt.s32 v42, $0x0;
	v55 =	vsel vm11, $0x1, v0;
	v7 =	vadd.s32 v48, v49  }
0x14f: {  	v57 =	vsel vm6, $0x1, v0;
	v5 =	vadd.s32 v41, v5;
	v46 =	vsub.s32 v8, v1  }
0x150: {  	v39 =	vld [tilespmem:$0x18380];
	vm10 =	vgt.s32 v44, $0x0;
	v51 =	vsel vm15, $0x1, v0;
	v7 =	vadd.s32 v12, v7  }
0x151: {  	vm15 =	vgt.s32 v10, $0x0;
	v58 =	vsel vm13, $0x1, v0;
	v4 =	vadd.s32 v52, v4  }
0x152: {  	v5 =	vadd.s32 v43, v5;
	v3 =	vsub.s32 v25, v3;
	vm12 =	vgt.s32 v46, $0x0  }
0x153: {  	v10 =	vsel vm15, $0x1, v0;
	v62 =	vsel vm10, $0x1, v0;
	v5 =	vadd.s32 v45, v5  }
0x154: {  	vm5 =	vgt.s32 v3, $0x0;
	v54 =	vsub.s32 v9, v1;
	v59 =	vsel vm12, $0x1, v0  }
0x155: {  	v7 =	vadd.s32 v10, v7;
	v3 =	vadd.s32 v51, v4;
	v47 =	vsub.s32 v39, v1  }
0x156: {  	v53 =	vsel vm5, $0x1, v0;
	vm14 =	vgt.s32 v54, $0x0;
	v56 =	vadd.s32 v55, v5  }
0x157: {  	v8 =	vadd.s32 v59, v50;
	v3 =	vadd.s32 v58, v3;
	v60 =	vsel vm14, $0x1, v0  }
0x158: {  	vm9 =	vgt.s32 v47, $0x0;
	v1 =	vadd.s32 v57, v56;
	[tilespmem:$0x18400] =	vst v3;
	v61 =	vadd.s32 v60, v8  }
0x159: {  	v2 =	vadd.s32 v53, v7;
	[tilespmem:$0x18430] =	vst v1;
	v63 =	vsel vm9, $0x1, v0;
	v1 =	vadd.s32 v62, v61  }
0x15a: {  	[tilespmem:$0x18420] =	vst v2;
	v0 =	vadd.s32 v63, v1  }
0x15b: {  	s0 =	simm.s32 $0x18400;
	[tilespmem:$0x18410] =	vst v0  }
0x15c: {  	[hbm4b:s29+s2] =	stream.linear.scatter [tilespmem:s0], [sflag:$0xA], $0x40, $0x38;
	[tilespmem:$0x18480] =	vst v63  }
0x15d: {  	_ =	swait.ge [sflag:s3], $0x6000  }
0x15e: {  	[sflag:s3] =	ssyncset.done $0x0  }
0x15f: {  	[sflag:s3] =	ssyncadd.s32 $0xFFFFA000  }
0x160: {  	_ =	swait.ge [sflag:s5], $0x6000  }
0x161: {  	[sflag:s5] =	ssyncset.done $0x0  }
0x162: {  	[sflag:s5] =	ssyncadd.s32 $0xFFFFA000  }
0x163: {  	_ =	swait.ge [sflag:s4], $0xC00  }
0x164: {  	[sflag:s4] =	ssyncset.done $0x0  }
0x165: {  	[sflag:s4] =	ssyncadd.s32 $0xFFFFF400  }
0x166: {  	_ =	swait.ge [sflag:s6], $0xC00  }
0x167: {  	[sflag:s6] =	ssyncset.done $0x0  }
0x168: {  	[sflag:s6] =	ssyncadd.s32 $0xFFFFF400  }
0x169: {  	_ =	swait.ge [sflag:s28], $0x40  }
0x16a: {  	[sflag:s28] =	ssyncset.done $0x0  }
0x16b: {  	[sflag:s28] =	ssyncadd.s32 $0xFFFFFFC0  }
0x16c: {  	_ =	sfence.sel $0x180000  }
0x16d: {  	[bflag:$0x0] =	sbarrier.arrive $0xFFFF  }
0x16e: {  	_ =	strace $0x90000047  }
0x16f: {  	s31 =	stileid.u32;
	[bflag:$0x2] =	sbarrier.arrive $0xFFFF  }
0x170: {  	p0 =	sne.s32 s31, $0x0;
	s0 =	rddreg [dreg:$0x6]  }
0x171: {  	s0 =	sadd.s32 @!p0 $0x100000, s0  }
0x172: {  	[sflag:s0] =	ssyncadd.tile.s32 @!p0 $0x1;
	_ =	shalt  }
.Lfunc_end2:
_tile_overlayer_lowered:
.L_overlay_start_2:
0x173: {  	(tag) =	ssettag $0x2  }
0x174: {  	s0 =	rddreg [dreg:$0x0];
	s2 =	stileid.u32  }
0x175: {  	s1 =	rddreg [dreg:$0x1];
	p0 =	sne.s32 s2, $0x0  }
0x176: {  	s3 =	rddreg [dreg:$0x2];
	[bflag:$0x3] =	sbarrier.arrive $0xFFFF;
	s2 =	simm.s32 @!p0 $0x1C0B  }
0x177: {  	[timem:s3], [sflag:s2] =	dma.local @!p0 [hbm:s0], s1  }
0x178: {  	s0 =	simm.s32 @!p0 $0xB  }
0x179: {  	_ =	swait.ge @!p0 [sflag:s0], s1  }
0x17a: {  	s1 =	ssub.s32 @!p0 $0x0, s1;
	[sflag:s0] =	ssyncset.done @!p0 $0x0  }
0x17b: {  	[sflag:s0] =	ssyncadd.s32 @!p0 s1  }
0x17c: {  	[bflag:$0x3] =	sbarrier.arrive $0xFFFF  }
0x17d: {  	_ =	shalt  }

</sc_bundles>
